<compile_context>
chip_gen: v7x
topology: tpu7x:2x2x1
jax: 0.10.2.dev20260603
libtpu: 0.0.44.dev20260713+nightly
codegen_flags: <defaults>
</compile_context>

<pallas_src>
import functools

import jax
import jax.numpy as jnp
from jax import lax
from jax.experimental import pallas as pl
from jax.experimental.pallas import tpu as pltpu
from jax.experimental.pallas import tpu_sc as plsc

N_NODES = 10000
N_EDGES = 320000
D = 128

NC = 2
NS = 16
NW = NC * NS
CHUNK = 128
CPT = -(-N_EDGES // (NW * CHUNK))
SLAB_CPT = CPT + 1
NP = 10240
STRIPE = NP // NS

_sc_mesh = plsc.VectorSubcoreMesh(core_axis_name="c", subcore_axis_name="s")


@functools.partial(
    pl.kernel,
    out_type=jax.ShapeDtypeStruct((NC, NP, D), jnp.float32),
    mesh=_sc_mesh,
    scratch_types=[
        pltpu.VMEM((CHUNK,), jnp.int32),
        pltpu.VMEM((CHUNK,), jnp.int32),
        pltpu.VMEM((CHUNK,), jnp.int32),
        pltpu.VMEM((CHUNK,), jnp.int32),
        pltpu.VMEM((CHUNK, D), jnp.float32),
        pltpu.VMEM((CHUNK, D), jnp.float32),
        pltpu.VMEM_SHARED((NP, D), jnp.float32),
        pltpu.SemaphoreType.DMA,
        pltpu.SemaphoreType.DMA,
        pltpu.SemaphoreType.DMA,
        pltpu.SemaphoreType.DMA,
        pltpu.SemaphoreType.DMA,
        pltpu.SemaphoreType.DMA,
    ],
)
def _scatter_kernel(slab_hbm, y_hbm, zeros_hbm, out_hbm,
                    sa, da, sb, db, buf_a, buf_b, acc_sh,
                    sem_a, sem_b, sem_ia, sem_ib, sem_sa, sem_sb):
    c = lax.axis_index("c")
    s = lax.axis_index("s")

    pltpu.sync_copy(zeros_hbm.at[pl.ds(s * STRIPE, STRIPE), :],
                    acc_sh.at[pl.ds(s * STRIPE, STRIPE), :])
    plsc.subcore_barrier()

    def load_idx(j, si, di, sem):
        pltpu.async_copy(slab_hbm.at[c, s, j, 0, 0], si, sem)
        pltpu.async_copy(slab_hbm.at[c, s, j, 1, 0], di, sem)

    def wait_idx(j, si, di, sem):
        pltpu.make_async_copy(slab_hbm.at[c, s, j, 0, 0], si, sem).wait()
        pltpu.make_async_copy(slab_hbm.at[c, s, j, 1, 0], di, sem).wait()

    load_idx(0, sa, da, sem_ia)
    wait_idx(0, sa, da, sem_ia)
    pltpu.async_copy(y_hbm.at[sa], buf_a, sem_a)
    load_idx(1, sb, db, sem_ib)

    def body(t, _):
        ja = 2 * t
        wait_idx(ja + 1, sb, db, sem_ib)
        pltpu.async_copy(y_hbm.at[sb], buf_b, sem_b)
        pltpu.make_async_copy(y_hbm.at[sa], buf_a, sem_a).wait()
        pltpu.async_copy(buf_a, acc_sh.at[da], sem_sa, add=True)
        pltpu.make_async_copy(y_hbm.at[sb], buf_b, sem_b).wait()
        pltpu.make_async_copy(buf_a, acc_sh.at[da], sem_sa).wait()
        pltpu.async_copy(buf_b, acc_sh.at[db], sem_sb, add=True)
        load_idx(ja + 2, sa, da, sem_ia)
        wait_idx(ja + 2, sa, da, sem_ia)
        pltpu.async_copy(y_hbm.at[sa], buf_a, sem_a)
        pltpu.make_async_copy(buf_b, acc_sh.at[db], sem_sb).wait()
        load_idx(ja + 3, sb, db, sem_ib)
        return 0

    lax.fori_loop(0, (CPT - 1) // 2, body, 0)
    wait_idx(CPT, sb, db, sem_ib)
    pltpu.make_async_copy(y_hbm.at[sa], buf_a, sem_a).wait()
    pltpu.sync_copy(buf_a, acc_sh.at[da], add=True)

    plsc.subcore_barrier()
    pltpu.sync_copy(acc_sh.at[pl.ds(s * STRIPE, STRIPE), :],
                    out_hbm.at[c, pl.ds(s * STRIPE, STRIPE), :])


_RB = 1024
_GRID = NP // _RB


def _dis_y_body(deg_ref, x_ref, w_ref, dis_ref, y_ref):
    d = deg_ref[0, :, 0:1] + deg_ref[1, :, 0:1] + 1.0
    dis = lax.rsqrt(d)
    dis_ref[...] = dis
    y_ref[...] = jnp.dot(x_ref[...], w_ref[...],
                         preferred_element_type=jnp.float32) * dis


def _tc_dis_y(deg, x, w):
    return pl.pallas_call(
        _dis_y_body,
        grid=(_GRID,),
        in_specs=[
            pl.BlockSpec((NC, _RB, D), lambda i: (0, i, 0)),
            pl.BlockSpec((_RB, D), lambda i: (i, 0)),
            pl.BlockSpec((D, D), lambda i: (0, 0)),
        ],
        out_specs=[
            pl.BlockSpec((_RB, 1), lambda i: (i, 0)),
            pl.BlockSpec((_RB, D), lambda i: (i, 0)),
        ],
        out_shape=[
            jax.ShapeDtypeStruct((NP, 1), jnp.float32),
            jax.ShapeDtypeStruct((NP, D), jnp.float32),
        ],
    )(deg, x, w)


def _mid_body(z_ref, y_ref, dis_ref, b_ref, w_ref, out_ref):
    zb = z_ref[0] + z_ref[1] + y_ref[...]
    h = jnp.maximum(dis_ref[...] * zb + b_ref[...], 0.0)
    out_ref[...] = jnp.dot(h, w_ref[...],
                           preferred_element_type=jnp.float32) * dis_ref[...]


def _tc_mid(z, y, dis, b, w):
    return pl.pallas_call(
        _mid_body,
        grid=(_GRID,),
        in_specs=[
            pl.BlockSpec((NC, _RB, D), lambda i: (0, i, 0)),
            pl.BlockSpec((_RB, D), lambda i: (i, 0)),
            pl.BlockSpec((_RB, 1), lambda i: (i, 0)),
            pl.BlockSpec((1, D), lambda i: (0, 0)),
            pl.BlockSpec((D, D), lambda i: (0, 0)),
        ],
        out_specs=pl.BlockSpec((_RB, D), lambda i: (i, 0)),
        out_shape=jax.ShapeDtypeStruct((NP, D), jnp.float32),
    )(z, y, dis, b, w)


def _final_body(z_ref, y_ref, dis_ref, b_ref, out_ref):
    out_ref[...] = dis_ref[...] * (z_ref[0] + z_ref[1] + y_ref[...]) + b_ref[...]


def _tc_final(z, y, dis, b):
    return pl.pallas_call(
        _final_body,
        grid=(_GRID,),
        in_specs=[
            pl.BlockSpec((NC, _RB, D), lambda i: (0, i, 0)),
            pl.BlockSpec((_RB, D), lambda i: (i, 0)),
            pl.BlockSpec((_RB, 1), lambda i: (i, 0)),
            pl.BlockSpec((1, D), lambda i: (0, 0)),
        ],
        out_specs=pl.BlockSpec((_RB, D), lambda i: (i, 0)),
        out_shape=jax.ShapeDtypeStruct((NP, D), jnp.float32),
    )(z, y, dis, b)


def kernel(x, edge_index, W1, b1, W2, b2):
    ei = edge_index.astype(jnp.int32)
    e_proc = NW * CPT * CHUNK
    pad = e_proc - N_EDGES
    src = jnp.concatenate([ei[0], jnp.zeros((pad,), jnp.int32)])
    dst = jnp.concatenate([ei[1], jnp.full((pad,), N_NODES, jnp.int32)])
    slab = jnp.stack(
        [src.reshape(NW, CPT, CHUNK), dst.reshape(NW, CPT, CHUNK)], axis=2)
    pad_chunk = jnp.broadcast_to(
        jnp.stack([jnp.zeros((CHUNK,), jnp.int32),
                   jnp.full((CHUNK,), N_NODES, jnp.int32)]),
        (NW, 1, 2, CHUNK))
    slab = jnp.concatenate([slab, pad_chunk], axis=1)
    slab = slab.reshape(NC, NS, SLAB_CPT, 2, 1, CHUNK)

    xp = jnp.pad(x, ((0, NP - N_NODES), (0, 0)))
    zeros_z = jnp.zeros((NP, D), jnp.float32)
    b1r = b1.reshape(1, D)
    b2r = b2.reshape(1, D)

    ones_y = jnp.ones((NP, D), jnp.float32)
    degp = _scatter_kernel(slab, ones_y, zeros_z)
    dis, y1 = _tc_dis_y(degp, xp, W1)
    z1 = _scatter_kernel(slab, y1, zeros_z)
    y2 = _tc_mid(z1, y1, dis, b1r, W2)
    z2 = _scatter_kernel(slab, y2, zeros_z)
    out = _tc_final(z2, y2, dis, b2r)
    return out[:N_NODES]

# --- scband reference (transcript-rebuilt; emitter-appended) ---
"""Pipeline reference for scband-sparse-gnn-11450382811734 (READ-ONLY COPY).

The authoritative reference and input builder live on the scoring server;
editing this copy changes nothing except your own understanding.
"""

import jax, jax.numpy as jnp
import numpy as np

N_NODES = 10000
N_EDGES = 320000
D_IN = 128
D_HID = 128
D_OUT = 128


def setup_inputs(seed: int = 0) -> dict:
    key = jax.random.key(seed)
    k_x, k_e, k_w1, k_b1, k_w2, k_b2 = jax.random.split(key, 6)
    x = jax.random.normal(k_x, (N_NODES, D_IN), dtype=jnp.float32)
    edge_index = jax.random.randint(k_e, (2, N_EDGES), 0, N_NODES, dtype=jnp.int64)
    # Glorot-style init for GCN layer weights (PyG GCNConv: lin.weight [out, in], used as x @ W^T; we store W as [in, out])
    s1 = float(np.sqrt(6.0 / (D_IN + D_HID)))
    W1 = jax.random.uniform(k_w1, (D_IN, D_HID), dtype=jnp.float32, minval=-s1, maxval=s1)
    b1 = jnp.zeros((D_HID,), dtype=jnp.float32)
    s2 = float(np.sqrt(6.0 / (D_HID + D_OUT)))
    W2 = jax.random.uniform(k_w2, (D_HID, D_OUT), dtype=jnp.float32, minval=-s2, maxval=s2)
    b2 = jnp.zeros((D_OUT,), dtype=jnp.float32)
    return {"x": x, "edge_index": edge_index, "W1": W1, "b1": b1, "W2": W2, "b2": b2}


def _gcn_conv(x, edge_index, W, b, num_nodes):
    # GCNConv: out = D^{-1/2} (A + I) D^{-1/2} X W + b
    src = edge_index[0]
    dst = edge_index[1]
    loop = jnp.arange(num_nodes, dtype=src.dtype)
    src = jnp.concatenate([src, loop], axis=0)
    dst = jnp.concatenate([dst, loop], axis=0)
    deg = jnp.zeros((num_nodes,), dtype=x.dtype).at[dst].add(1.0)
    deg_inv_sqrt = jnp.where(deg > 0, 1.0 / jnp.sqrt(deg), 0.0)
    norm = deg_inv_sqrt[src] * deg_inv_sqrt[dst]
    xw = x @ W
    msg = jnp.take(xw, src, axis=0) * norm[:, None]
    out = jnp.zeros((num_nodes, xw.shape[1]), dtype=x.dtype).at[dst].add(msg)
    return out + b


def reference(x, edge_index, W1, b1, W2, b2):
    # SparseGNN forward (eval mode: dropout is identity)
    h = _gcn_conv(x, edge_index, W1, b1, N_NODES)
    h = jax.nn.relu(h)
    out = _gcn_conv(h, edge_index, W2, b2, N_NODES)
    return out

if __name__ == "__main__":
    import jax
    _d = setup_inputs()
    print(jax.jit(kernel)(*tuple(_d.values())))

</pallas_src>

<mosaic_0001>
#map = affine_map<(d0, d1) -> (0, 0, 0, 0, 0, 0)>
#map1 = affine_map<(d0, d1) -> (0, 0)>
#map2 = affine_map<(d0, d1) -> (0, 0, 0)>
module attributes {stable_mosaic.version = 14 : i64} {
  func.func @_scatter_kernel(%arg0: i32, %arg1: i32, %arg2: memref<2x16x80x2x1x128xi32, #tpu.memory_space<hbm>>, %arg3: memref<10240x128xf32, #tpu.memory_space<hbm>>, %arg4: memref<10240x128xf32, #tpu.memory_space<hbm>>, %arg5: memref<2x10240x128xf32, #tpu.memory_space<hbm>>, %arg6: memref<128xi32, #tpu.memory_space<vmem>>, %arg7: memref<128xi32, #tpu.memory_space<vmem>>, %arg8: memref<128xi32, #tpu.memory_space<vmem>>, %arg9: memref<128xi32, #tpu.memory_space<vmem>>, %arg10: memref<128x128xf32, #tpu.memory_space<vmem>>, %arg11: memref<128x128xf32, #tpu.memory_space<vmem>>, %arg12: memref<10240x128xf32, #tpu.memory_space<vmem_shared>>, %arg13: memref<!tpu.dma_semaphore, #tpu.memory_space<semaphore_mem>>, %arg14: memref<!tpu.dma_semaphore, #tpu.memory_space<semaphore_mem>>, %arg15: memref<!tpu.dma_semaphore, #tpu.memory_space<semaphore_mem>>, %arg16: memref<!tpu.dma_semaphore, #tpu.memory_space<semaphore_mem>>, %arg17: memref<!tpu.dma_semaphore, #tpu.memory_space<semaphore_mem>>, %arg18: memref<!tpu.dma_semaphore, #tpu.memory_space<semaphore_mem>>) attributes {dimension_semantics = [#tpu.dimension_semantics<core_parallel>, #tpu.dimension_semantics<subcore_parallel>], iteration_bounds = array<i64: 2, 16>, scalar_prefetch = 0 : i64, scratch_operands = 13 : i64, tpu.core_type = #tpu.core_type<sc_vector_subcore>, window_params = [{transform_indices = #map}, {transform_indices = #map1}, {transform_indices = #map1}, {transform_indices = #map2}]} {
    %mul3A = arith.constant 640 : i32
    %mul3A_0 = arith.muli %arg1, %mul3A : i32
    %mul3A_1 = arith.constant 640 : i32
    %mul3A_2 = arith.muli %arg1, %mul3A_1 : i32
    "tpu.region"() ({
      %run_scoped3A = tpu.sem_alloc : memref<!tpu.dma_semaphore, #tpu.memory_space<semaphore_mem>>
      %dma_start3A_90 = arith.constant 0 : i32
      %dma_start3A_91 = tpu.memref_slice %arg12[%mul3A_2, %dma_start3A_90] : memref<10240x128xf32, #tpu.memory_space<vmem_shared>> -> memref<640x128xf32, #tpu.memory_space<vmem_shared>>
      %dma_start3A_92 = arith.constant 0 : i32
      %dma_start3A_93 = tpu.memref_slice %arg4[%mul3A_0, %dma_start3A_92] : memref<10240x128xf32, #tpu.memory_space<hbm>> -> memref<640x128xf32, #tpu.memory_space<hbm>>
      tpu.enqueue_dma source(%dma_start3A_93 : memref<640x128xf32, #tpu.memory_space<hbm>>) target(%dma_start3A_91 : memref<640x128xf32, #tpu.memory_space<vmem_shared>>) target_semaphore(%run_scoped3A : memref<!tpu.dma_semaphore, #tpu.memory_space<semaphore_mem>>)
      %dma_wait3A_94 = arith.constant 0 : i32
      %dma_wait3A_95 = tpu.memref_slice %arg12[%mul3A_2, %dma_wait3A_94] : memref<10240x128xf32, #tpu.memory_space<vmem_shared>> -> memref<640x128xf32, #tpu.memory_space<vmem_shared>>
      %dma_wait3A_96 = arith.constant 0 : i32
      %dma_wait3A_97 = tpu.memref_slice %arg4[%mul3A_0, %dma_wait3A_96] : memref<10240x128xf32, #tpu.memory_space<hbm>> -> memref<640x128xf32, #tpu.memory_space<hbm>>
      tpu.wait_dma2 semaphore(%run_scoped3A : memref<!tpu.dma_semaphore, #tpu.memory_space<semaphore_mem>>) src(%dma_wait3A_97 : memref<640x128xf32, #tpu.memory_space<hbm>>) dst(%dma_wait3A_95 : memref<640x128xf32, #tpu.memory_space<vmem_shared>>)
      tpu.yield
    }) : () -> ()
    %barrier3A = arith.constant 0 : index
    tpu.barrier barrier_id(%barrier3A)
    %dma_start3A = arith.constant 0 : i32
    %dma_start3A_3 = arith.constant 0 : i32
    %dma_start3A_4 = arith.constant 0 : i32
    %dma_start3A_5 = arith.constant 0 : i32
    %dma_start3A_6 = tpu.memref_slice %arg2[%arg0, %arg1, %dma_start3A, %dma_start3A_3, %dma_start3A_4, %dma_start3A_5] : memref<2x16x80x2x1x128xi32, #tpu.memory_space<hbm>> -> memref<1x1x1x1x1x128xi32, #tpu.memory_space<hbm>>
    %dma_start3A_7 = tpu.memref_squeeze %dma_start3A_6 : memref<1x1x1x1x1x128xi32, #tpu.memory_space<hbm>> -> memref<128xi32, #tpu.memory_space<hbm>>
    %dma_start3A_8 = arith.constant 0 : i32
    %dma_start3A_9 = tpu.memref_slice %arg2[%arg0, %arg1, %dma_start3A, %dma_start3A_3, %dma_start3A_4, %dma_start3A_8] : memref<2x16x80x2x1x128xi32, #tpu.memory_space<hbm>> -> memref<1x1x1x1x1x128xi32, #tpu.memory_space<hbm>>
    %dma_start3A_10 = tpu.memref_squeeze %dma_start3A_9 : memref<1x1x1x1x1x128xi32, #tpu.memory_space<hbm>> -> memref<128xi32, #tpu.memory_space<hbm>>
    tpu.enqueue_dma source(%dma_start3A_10 : memref<128xi32, #tpu.memory_space<hbm>>) target(%arg6 : memref<128xi32, #tpu.memory_space<vmem>>) target_semaphore(%arg15 : memref<!tpu.dma_semaphore, #tpu.memory_space<semaphore_mem>>)
    %dma_start3A_11 = arith.constant 0 : i32
    %dma_start3A_12 = arith.constant 1 : i32
    %dma_start3A_13 = arith.constant 0 : i32
    %dma_start3A_14 = arith.constant 0 : i32
    %dma_start3A_15 = tpu.memref_slice %arg2[%arg0, %arg1, %dma_start3A_11, %dma_start3A_12, %dma_start3A_13, %dma_start3A_14] : memref<2x16x80x2x1x128xi32, #tpu.memory_space<hbm>> -> memref<1x1x1x1x1x128xi32, #tpu.memory_space<hbm>>
    %dma_start3A_16 = tpu.memref_squeeze %dma_start3A_15 : memref<1x1x1x1x1x128xi32, #tpu.memory_space<hbm>> -> memref<128xi32, #tpu.memory_space<hbm>>
    %dma_start3A_17 = arith.constant 0 : i32
    %dma_start3A_18 = tpu.memref_slice %arg2[%arg0, %arg1, %dma_start3A_11, %dma_start3A_12, %dma_start3A_13, %dma_start3A_17] : memref<2x16x80x2x1x128xi32, #tpu.memory_space<hbm>> -> memref<1x1x1x1x1x128xi32, #tpu.memory_space<hbm>>
    %dma_start3A_19 = tpu.memref_squeeze %dma_start3A_18 : memref<1x1x1x1x1x128xi32, #tpu.memory_space<hbm>> -> memref<128xi32, #tpu.memory_space<hbm>>
    tpu.enqueue_dma source(%dma_start3A_19 : memref<128xi32, #tpu.memory_space<hbm>>) target(%arg7 : memref<128xi32, #tpu.memory_space<vmem>>) target_semaphore(%arg15 : memref<!tpu.dma_semaphore, #tpu.memory_space<semaphore_mem>>)
    %dma_wait3A = arith.constant 0 : i32
    %dma_wait3A_20 = arith.constant 0 : i32
    %dma_wait3A_21 = arith.constant 0 : i32
    %dma_wait3A_22 = arith.constant 0 : i32
    %dma_wait3A_23 = tpu.memref_slice %arg2[%arg0, %arg1, %dma_wait3A, %dma_wait3A_20, %dma_wait3A_21, %dma_wait3A_22] : memref<2x16x80x2x1x128xi32, #tpu.memory_space<hbm>> -> memref<1x1x1x1x1x128xi32, #tpu.memory_space<hbm>>
    %dma_wait3A_24 = tpu.memref_squeeze %dma_wait3A_23 : memref<1x1x1x1x1x128xi32, #tpu.memory_space<hbm>> -> memref<128xi32, #tpu.memory_space<hbm>>
    %dma_wait3A_25 = arith.constant 0 : i32
    %dma_wait3A_26 = tpu.memref_slice %arg2[%arg0, %arg1, %dma_wait3A, %dma_wait3A_20, %dma_wait3A_21, %dma_wait3A_25] : memref<2x16x80x2x1x128xi32, #tpu.memory_space<hbm>> -> memref<1x1x1x1x1x128xi32, #tpu.memory_space<hbm>>
    %dma_wait3A_27 = tpu.memref_squeeze %dma_wait3A_26 : memref<1x1x1x1x1x128xi32, #tpu.memory_space<hbm>> -> memref<128xi32, #tpu.memory_space<hbm>>
    tpu.wait_dma2 semaphore(%arg15 : memref<!tpu.dma_semaphore, #tpu.memory_space<semaphore_mem>>) src(%dma_wait3A_27 : memref<128xi32, #tpu.memory_space<hbm>>) dst(%arg6 : memref<128xi32, #tpu.memory_space<vmem>>)
    %dma_wait3A_28 = arith.constant 0 : i32
    %dma_wait3A_29 = arith.constant 1 : i32
    %dma_wait3A_30 = arith.constant 0 : i32
    %dma_wait3A_31 = arith.constant 0 : i32
    %dma_wait3A_32 = tpu.memref_slice %arg2[%arg0, %arg1, %dma_wait3A_28, %dma_wait3A_29, %dma_wait3A_30, %dma_wait3A_31] : memref<2x16x80x2x1x128xi32, #tpu.memory_space<hbm>> -> memref<1x1x1x1x1x128xi32, #tpu.memory_space<hbm>>
    %dma_wait3A_33 = tpu.memref_squeeze %dma_wait3A_32 : memref<1x1x1x1x1x128xi32, #tpu.memory_space<hbm>> -> memref<128xi32, #tpu.memory_space<hbm>>
    %dma_wait3A_34 = arith.constant 0 : i32
    %dma_wait3A_35 = tpu.memref_slice %arg2[%arg0, %arg1, %dma_wait3A_28, %dma_wait3A_29, %dma_wait3A_30, %dma_wait3A_34] : memref<2x16x80x2x1x128xi32, #tpu.memory_space<hbm>> -> memref<1x1x1x1x1x128xi32, #tpu.memory_space<hbm>>
    %dma_wait3A_36 = tpu.memref_squeeze %dma_wait3A_35 : memref<1x1x1x1x1x128xi32, #tpu.memory_space<hbm>> -> memref<128xi32, #tpu.memory_space<hbm>>
    tpu.wait_dma2 semaphore(%arg15 : memref<!tpu.dma_semaphore, #tpu.memory_space<semaphore_mem>>) src(%dma_wait3A_36 : memref<128xi32, #tpu.memory_space<hbm>>) dst(%arg7 : memref<128xi32, #tpu.memory_space<vmem>>)
    %dma_start3A_37 = arith.constant 0 : i32
    %dma_start3A_38 = arith.constant 0 : i32
    %dma_start3A_39 = tpu.memref_slice %arg3[%dma_start3A_37, %dma_start3A_38] : memref<10240x128xf32, #tpu.memory_space<hbm>> -> memref<10240x128xf32, #tpu.memory_space<hbm>>
    tpu.enqueue_indirect_dma source(%dma_start3A_39 : memref<10240x128xf32, #tpu.memory_space<hbm>>) target(%arg10 : memref<128x128xf32, #tpu.memory_space<vmem>>) offsets(%arg6 : memref<128xi32, #tpu.memory_space<vmem>>) semaphore(%arg13 : memref<!tpu.dma_semaphore, #tpu.memory_space<semaphore_mem>>)
    %dma_start3A_40 = arith.constant 1 : i32
    %dma_start3A_41 = arith.constant 0 : i32
    %dma_start3A_42 = arith.constant 0 : i32
    %dma_start3A_43 = arith.constant 0 : i32
    %dma_start3A_44 = tpu.memref_slice %arg2[%arg0, %arg1, %dma_start3A_40, %dma_start3A_41, %dma_start3A_42, %dma_start3A_43] : memref<2x16x80x2x1x128xi32, #tpu.memory_space<hbm>> -> memref<1x1x1x1x1x128xi32, #tpu.memory_space<hbm>>
    %dma_start3A_45 = tpu.memref_squeeze %dma_start3A_44 : memref<1x1x1x1x1x128xi32, #tpu.memory_space<hbm>> -> memref<128xi32, #tpu.memory_space<hbm>>
    %dma_start3A_46 = arith.constant 0 : i32
    %dma_start3A_47 = tpu.memref_slice %arg2[%arg0, %arg1, %dma_start3A_40, %dma_start3A_41, %dma_start3A_42, %dma_start3A_46] : memref<2x16x80x2x1x128xi32, #tpu.memory_space<hbm>> -> memref<1x1x1x1x1x128xi32, #tpu.memory_space<hbm>>
    %dma_start3A_48 = tpu.memref_squeeze %dma_start3A_47 : memref<1x1x1x1x1x128xi32, #tpu.memory_space<hbm>> -> memref<128xi32, #tpu.memory_space<hbm>>
    tpu.enqueue_dma source(%dma_start3A_48 : memref<128xi32, #tpu.memory_space<hbm>>) target(%arg8 : memref<128xi32, #tpu.memory_space<vmem>>) target_semaphore(%arg16 : memref<!tpu.dma_semaphore, #tpu.memory_space<semaphore_mem>>)
    %dma_start3A_49 = arith.constant 1 : i32
    %dma_start3A_50 = arith.constant 1 : i32
    %dma_start3A_51 = arith.constant 0 : i32
    %dma_start3A_52 = arith.constant 0 : i32
    %dma_start3A_53 = tpu.memref_slice %arg2[%arg0, %arg1, %dma_start3A_49, %dma_start3A_50, %dma_start3A_51, %dma_start3A_52] : memref<2x16x80x2x1x128xi32, #tpu.memory_space<hbm>> -> memref<1x1x1x1x1x128xi32, #tpu.memory_space<hbm>>
    %dma_start3A_54 = tpu.memref_squeeze %dma_start3A_53 : memref<1x1x1x1x1x128xi32, #tpu.memory_space<hbm>> -> memref<128xi32, #tpu.memory_space<hbm>>
    %dma_start3A_55 = arith.constant 0 : i32
    %dma_start3A_56 = tpu.memref_slice %arg2[%arg0, %arg1, %dma_start3A_49, %dma_start3A_50, %dma_start3A_51, %dma_start3A_55] : memref<2x16x80x2x1x128xi32, #tpu.memory_space<hbm>> -> memref<1x1x1x1x1x128xi32, #tpu.memory_space<hbm>>
    %dma_start3A_57 = tpu.memref_squeeze %dma_start3A_56 : memref<1x1x1x1x1x128xi32, #tpu.memory_space<hbm>> -> memref<128xi32, #tpu.memory_space<hbm>>
    tpu.enqueue_dma source(%dma_start3A_57 : memref<128xi32, #tpu.memory_space<hbm>>) target(%arg9 : memref<128xi32, #tpu.memory_space<vmem>>) target_semaphore(%arg16 : memref<!tpu.dma_semaphore, #tpu.memory_space<semaphore_mem>>)
    %scan3A = arith.constant 0 : i32
    %scan3A_58 = arith.constant 0 : i32
    %scan3A_59 = arith.constant 39 : i32
    %scan3A_60 = arith.addi %scan3A_58, %scan3A_59 : i32
    %scan3A_61 = arith.constant 1 : i32
    %scan3A_62 = scf.for %scan3A_90 = %scan3A_58 to %scan3A_60 step %scan3A_61 iter_args(%scan3A_91 = %scan3A) -> (i32)  : i32 {
      %mul3A_92 = arith.constant 2 : i32
      %mul3A_93 = arith.muli %mul3A_92, %scan3A_90 : i32
      %add3A = arith.constant 1 : i32
      %add3A_94 = arith.addi %mul3A_93, %add3A : i32
      %dma_wait3A_95 = arith.constant 0 : i32
      %dma_wait3A_96 = arith.constant 0 : i32
      %dma_wait3A_97 = arith.constant 0 : i32
      %dma_wait3A_98 = tpu.memref_slice %arg2[%arg0, %arg1, %add3A_94, %dma_wait3A_95, %dma_wait3A_96, %dma_wait3A_97] : memref<2x16x80x2x1x128xi32, #tpu.memory_space<hbm>> -> memref<1x1x1x1x1x128xi32, #tpu.memory_space<hbm>>
      %dma_wait3A_99 = tpu.memref_squeeze %dma_wait3A_98 : memref<1x1x1x1x1x128xi32, #tpu.memory_space<hbm>> -> memref<128xi32, #tpu.memory_space<hbm>>
      %dma_wait3A_100 = arith.constant 0 : i32
      %dma_wait3A_101 = tpu.memref_slice %arg2[%arg0, %arg1, %add3A_94, %dma_wait3A_95, %dma_wait3A_96, %dma_wait3A_100] : memref<2x16x80x2x1x128xi32, #tpu.memory_space<hbm>> -> memref<1x1x1x1x1x128xi32, #tpu.memory_space<hbm>>
      %dma_wait3A_102 = tpu.memref_squeeze %dma_wait3A_101 : memref<1x1x1x1x1x128xi32, #tpu.memory_space<hbm>> -> memref<128xi32, #tpu.memory_space<hbm>>
      tpu.wait_dma2 semaphore(%arg16 : memref<!tpu.dma_semaphore, #tpu.memory_space<semaphore_mem>>) src(%dma_wait3A_102 : memref<128xi32, #tpu.memory_space<hbm>>) dst(%arg8 : memref<128xi32, #tpu.memory_space<vmem>>)
      %dma_wait3A_103 = arith.constant 1 : i32
      %dma_wait3A_104 = arith.constant 0 : i32
      %dma_wait3A_105 = arith.constant 0 : i32
      %dma_wait3A_106 = tpu.memref_slice %arg2[%arg0, %arg1, %add3A_94, %dma_wait3A_103, %dma_wait3A_104, %dma_wait3A_105] : memref<2x16x80x2x1x128xi32, #tpu.memory_space<hbm>> -> memref<1x1x1x1x1x128xi32, #tpu.memory_space<hbm>>
      %dma_wait3A_107 = tpu.memref_squeeze %dma_wait3A_106 : memref<1x1x1x1x1x128xi32, #tpu.memory_space<hbm>> -> memref<128xi32, #tpu.memory_space<hbm>>
      %dma_wait3A_108 = arith.constant 0 : i32
      %dma_wait3A_109 = tpu.memref_slice %arg2[%arg0, %arg1, %add3A_94, %dma_wait3A_103, %dma_wait3A_104, %dma_wait3A_108] : memref<2x16x80x2x1x128xi32, #tpu.memory_space<hbm>> -> memref<1x1x1x1x1x128xi32, #tpu.memory_space<hbm>>
      %dma_wait3A_110 = tpu.memref_squeeze %dma_wait3A_109 : memref<1x1x1x1x1x128xi32, #tpu.memory_space<hbm>> -> memref<128xi32, #tpu.memory_space<hbm>>
      tpu.wait_dma2 semaphore(%arg16 : memref<!tpu.dma_semaphore, #tpu.memory_space<semaphore_mem>>) src(%dma_wait3A_110 : memref<128xi32, #tpu.memory_space<hbm>>) dst(%arg9 : memref<128xi32, #tpu.memory_space<vmem>>)
      %dma_start3A_111 = arith.constant 0 : i32
      %dma_start3A_112 = arith.constant 0 : i32
      %dma_start3A_113 = tpu.memref_slice %arg3[%dma_start3A_111, %dma_start3A_112] : memref<10240x128xf32, #tpu.memory_space<hbm>> -> memref<10240x128xf32, #tpu.memory_space<hbm>>
      tpu.enqueue_indirect_dma source(%dma_start3A_113 : memref<10240x128xf32, #tpu.memory_space<hbm>>) target(%arg11 : memref<128x128xf32, #tpu.memory_space<vmem>>) offsets(%arg8 : memref<128xi32, #tpu.memory_space<vmem>>) semaphore(%arg14 : memref<!tpu.dma_semaphore, #tpu.memory_space<semaphore_mem>>)
      %dma_wait3A_114 = arith.constant 0 : i32
      %dma_wait3A_115 = arith.constant 0 : i32
      %dma_wait3A_116 = tpu.memref_slice %arg3[%dma_wait3A_114, %dma_wait3A_115] : memref<10240x128xf32, #tpu.memory_space<hbm>> -> memref<10240x128xf32, #tpu.memory_space<hbm>>
      tpu.wait_indirect_dma semaphore(%arg13 : memref<!tpu.dma_semaphore, #tpu.memory_space<semaphore_mem>>) src(%dma_wait3A_116 : memref<10240x128xf32, #tpu.memory_space<hbm>>) dst(%arg10 : memref<128x128xf32, #tpu.memory_space<vmem>>)
      %dma_start3A_117 = arith.constant 0 : i32
      %dma_start3A_118 = arith.constant 0 : i32
      %dma_start3A_119 = tpu.memref_slice %arg12[%dma_start3A_117, %dma_start3A_118] : memref<10240x128xf32, #tpu.memory_space<vmem_shared>> -> memref<10240x128xf32, #tpu.memory_space<vmem_shared>>
      tpu.enqueue_indirect_dma source(%arg10 : memref<128x128xf32, #tpu.memory_space<vmem>>) target(%dma_start3A_119 : memref<10240x128xf32, #tpu.memory_space<vmem_shared>>) offsets(%arg7 : memref<128xi32, #tpu.memory_space<vmem>>) semaphore(%arg17 : memref<!tpu.dma_semaphore, #tpu.memory_space<semaphore_mem>>) {add = true}
      %dma_wait3A_120 = arith.constant 0 : i32
      %dma_wait3A_121 = arith.constant 0 : i32
      %dma_wait3A_122 = tpu.memref_slice %arg3[%dma_wait3A_120, %dma_wait3A_121] : memref<10240x128xf32, #tpu.memory_space<hbm>> -> memref<10240x128xf32, #tpu.memory_space<hbm>>
      tpu.wait_indirect_dma semaphore(%arg14 : memref<!tpu.dma_semaphore, #tpu.memory_space<semaphore_mem>>) src(%dma_wait3A_122 : memref<10240x128xf32, #tpu.memory_space<hbm>>) dst(%arg11 : memref<128x128xf32, #tpu.memory_space<vmem>>)
      %dma_wait3A_123 = arith.constant 0 : i32
      %dma_wait3A_124 = arith.constant 0 : i32
      %dma_wait3A_125 = tpu.memref_slice %arg12[%dma_wait3A_123, %dma_wait3A_124] : memref<10240x128xf32, #tpu.memory_space<vmem_shared>> -> memref<10240x128xf32, #tpu.memory_space<vmem_shared>>
      tpu.wait_indirect_dma semaphore(%arg17 : memref<!tpu.dma_semaphore, #tpu.memory_space<semaphore_mem>>) src(%arg10 : memref<128x128xf32, #tpu.memory_space<vmem>>) dst(%dma_wait3A_125 : memref<10240x128xf32, #tpu.memory_space<vmem_shared>>)
      %dma_start3A_126 = arith.constant 0 : i32
      %dma_start3A_127 = arith.constant 0 : i32
      %dma_start3A_128 = tpu.memref_slice %arg12[%dma_start3A_126, %dma_start3A_127] : memref<10240x128xf32, #tpu.memory_space<vmem_shared>> -> memref<10240x128xf32, #tpu.memory_space<vmem_shared>>
      tpu.enqueue_indirect_dma source(%arg11 : memref<128x128xf32, #tpu.memory_space<vmem>>) target(%dma_start3A_128 : memref<10240x128xf32, #tpu.memory_space<vmem_shared>>) offsets(%arg9 : memref<128xi32, #tpu.memory_space<vmem>>) semaphore(%arg18 : memref<!tpu.dma_semaphore, #tpu.memory_space<semaphore_mem>>) {add = true}
      %add3A_129 = arith.constant 2 : i32
      %add3A_130 = arith.addi %mul3A_93, %add3A_129 : i32
      %dma_start3A_131 = arith.constant 0 : i32
      %dma_start3A_132 = arith.constant 0 : i32
      %dma_start3A_133 = arith.constant 0 : i32
      %dma_start3A_134 = tpu.memref_slice %arg2[%arg0, %arg1, %add3A_130, %dma_start3A_131, %dma_start3A_132, %dma_start3A_133] : memref<2x16x80x2x1x128xi32, #tpu.memory_space<hbm>> -> memref<1x1x1x1x1x128xi32, #tpu.memory_space<hbm>>
      %dma_start3A_135 = tpu.memref_squeeze %dma_start3A_134 : memref<1x1x1x1x1x128xi32, #tpu.memory_space<hbm>> -> memref<128xi32, #tpu.memory_space<hbm>>
      %dma_start3A_136 = arith.constant 0 : i32
      %dma_start3A_137 = tpu.memref_slice %arg2[%arg0, %arg1, %add3A_130, %dma_start3A_131, %dma_start3A_132, %dma_start3A_136] : memref<2x16x80x2x1x128xi32, #tpu.memory_space<hbm>> -> memref<1x1x1x1x1x128xi32, #tpu.memory_space<hbm>>
      %dma_start3A_138 = tpu.memref_squeeze %dma_start3A_137 : memref<1x1x1x1x1x128xi32, #tpu.memory_space<hbm>> -> memref<128xi32, #tpu.memory_space<hbm>>
      tpu.enqueue_dma source(%dma_start3A_138 : memref<128xi32, #tpu.memory_space<hbm>>) target(%arg6 : memref<128xi32, #tpu.memory_space<vmem>>) target_semaphore(%arg15 : memref<!tpu.dma_semaphore, #tpu.memory_space<semaphore_mem>>)
      %dma_start3A_139 = arith.constant 1 : i32
      %dma_start3A_140 = arith.constant 0 : i32
      %dma_start3A_141 = arith.constant 0 : i32
      %dma_start3A_142 = tpu.memref_slice %arg2[%arg0, %arg1, %add3A_130, %dma_start3A_139, %dma_start3A_140, %dma_start3A_141] : memref<2x16x80x2x1x128xi32, #tpu.memory_space<hbm>> -> memref<1x1x1x1x1x128xi32, #tpu.memory_space<hbm>>
      %dma_start3A_143 = tpu.memref_squeeze %dma_start3A_142 : memref<1x1x1x1x1x128xi32, #tpu.memory_space<hbm>> -> memref<128xi32, #tpu.memory_space<hbm>>
      %dma_start3A_144 = arith.constant 0 : i32
      %dma_start3A_145 = tpu.memref_slice %arg2[%arg0, %arg1, %add3A_130, %dma_start3A_139, %dma_start3A_140, %dma_start3A_144] : memref<2x16x80x2x1x128xi32, #tpu.memory_space<hbm>> -> memref<1x1x1x1x1x128xi32, #tpu.memory_space<hbm>>
      %dma_start3A_146 = tpu.memref_squeeze %dma_start3A_145 : memref<1x1x1x1x1x128xi32, #tpu.memory_space<hbm>> -> memref<128xi32, #tpu.memory_space<hbm>>
      tpu.enqueue_dma source(%dma_start3A_146 : memref<128xi32, #tpu.memory_space<hbm>>) target(%arg7 : memref<128xi32, #tpu.memory_space<vmem>>) target_semaphore(%arg15 : memref<!tpu.dma_semaphore, #tpu.memory_space<semaphore_mem>>)
      %add3A_147 = arith.constant 2 : i32
      %add3A_148 = arith.addi %mul3A_93, %add3A_147 : i32
      %dma_wait3A_149 = arith.constant 0 : i32
      %dma_wait3A_150 = arith.constant 0 : i32
      %dma_wait3A_151 = arith.constant 0 : i32
      %dma_wait3A_152 = tpu.memref_slice %arg2[%arg0, %arg1, %add3A_148, %dma_wait3A_149, %dma_wait3A_150, %dma_wait3A_151] : memref<2x16x80x2x1x128xi32, #tpu.memory_space<hbm>> -> memref<1x1x1x1x1x128xi32, #tpu.memory_space<hbm>>
      %dma_wait3A_153 = tpu.memref_squeeze %dma_wait3A_152 : memref<1x1x1x1x1x128xi32, #tpu.memory_space<hbm>> -> memref<128xi32, #tpu.memory_space<hbm>>
      %dma_wait3A_154 = arith.constant 0 : i32
      %dma_wait3A_155 = tpu.memref_slice %arg2[%arg0, %arg1, %add3A_148, %dma_wait3A_149, %dma_wait3A_150, %dma_wait3A_154] : memref<2x16x80x2x1x128xi32, #tpu.memory_space<hbm>> -> memref<1x1x1x1x1x128xi32, #tpu.memory_space<hbm>>
      %dma_wait3A_156 = tpu.memref_squeeze %dma_wait3A_155 : memref<1x1x1x1x1x128xi32, #tpu.memory_space<hbm>> -> memref<128xi32, #tpu.memory_space<hbm>>
      tpu.wait_dma2 semaphore(%arg15 : memref<!tpu.dma_semaphore, #tpu.memory_space<semaphore_mem>>) src(%dma_wait3A_156 : memref<128xi32, #tpu.memory_space<hbm>>) dst(%arg6 : memref<128xi32, #tpu.memory_space<vmem>>)
      %dma_wait3A_157 = arith.constant 1 : i32
      %dma_wait3A_158 = arith.constant 0 : i32
      %dma_wait3A_159 = arith.constant 0 : i32
      %dma_wait3A_160 = tpu.memref_slice %arg2[%arg0, %arg1, %add3A_148, %dma_wait3A_157, %dma_wait3A_158, %dma_wait3A_159] : memref<2x16x80x2x1x128xi32, #tpu.memory_space<hbm>> -> memref<1x1x1x1x1x128xi32, #tpu.memory_space<hbm>>
      %dma_wait3A_161 = tpu.memref_squeeze %dma_wait3A_160 : memref<1x1x1x1x1x128xi32, #tpu.memory_space<hbm>> -> memref<128xi32, #tpu.memory_space<hbm>>
      %dma_wait3A_162 = arith.constant 0 : i32
      %dma_wait3A_163 = tpu.memref_slice %arg2[%arg0, %arg1, %add3A_148, %dma_wait3A_157, %dma_wait3A_158, %dma_wait3A_162] : memref<2x16x80x2x1x128xi32, #tpu.memory_space<hbm>> -> memref<1x1x1x1x1x128xi32, #tpu.memory_space<hbm>>
      %dma_wait3A_164 = tpu.memref_squeeze %dma_wait3A_163 : memref<1x1x1x1x1x128xi32, #tpu.memory_space<hbm>> -> memref<128xi32, #tpu.memory_space<hbm>>
      tpu.wait_dma2 semaphore(%arg15 : memref<!tpu.dma_semaphore, #tpu.memory_space<semaphore_mem>>) src(%dma_wait3A_164 : memref<128xi32, #tpu.memory_space<hbm>>) dst(%arg7 : memref<128xi32, #tpu.memory_space<vmem>>)
      %dma_start3A_165 = arith.constant 0 : i32
      %dma_start3A_166 = arith.constant 0 : i32
      %dma_start3A_167 = tpu.memref_slice %arg3[%dma_start3A_165, %dma_start3A_166] : memref<10240x128xf32, #tpu.memory_space<hbm>> -> memref<10240x128xf32, #tpu.memory_space<hbm>>
      tpu.enqueue_indirect_dma source(%dma_start3A_167 : memref<10240x128xf32, #tpu.memory_space<hbm>>) target(%arg10 : memref<128x128xf32, #tpu.memory_space<vmem>>) offsets(%arg6 : memref<128xi32, #tpu.memory_space<vmem>>) semaphore(%arg13 : memref<!tpu.dma_semaphore, #tpu.memory_space<semaphore_mem>>)
      %dma_wait3A_168 = arith.constant 0 : i32
      %dma_wait3A_169 = arith.constant 0 : i32
      %dma_wait3A_170 = tpu.memref_slice %arg12[%dma_wait3A_168, %dma_wait3A_169] : memref<10240x128xf32, #tpu.memory_space<vmem_shared>> -> memref<10240x128xf32, #tpu.memory_space<vmem_shared>>
      tpu.wait_indirect_dma semaphore(%arg18 : memref<!tpu.dma_semaphore, #tpu.memory_space<semaphore_mem>>) src(%arg11 : memref<128x128xf32, #tpu.memory_space<vmem>>) dst(%dma_wait3A_170 : memref<10240x128xf32, #tpu.memory_space<vmem_shared>>)
      %add3A_171 = arith.constant 3 : i32
      %add3A_172 = arith.addi %mul3A_93, %add3A_171 : i32
      %dma_start3A_173 = arith.constant 0 : i32
      %dma_start3A_174 = arith.constant 0 : i32
      %dma_start3A_175 = arith.constant 0 : i32
      %dma_start3A_176 = tpu.memref_slice %arg2[%arg0, %arg1, %add3A_172, %dma_start3A_173, %dma_start3A_174, %dma_start3A_175] : memref<2x16x80x2x1x128xi32, #tpu.memory_space<hbm>> -> memref<1x1x1x1x1x128xi32, #tpu.memory_space<hbm>>
      %dma_start3A_177 = tpu.memref_squeeze %dma_start3A_176 : memref<1x1x1x1x1x128xi32, #tpu.memory_space<hbm>> -> memref<128xi32, #tpu.memory_space<hbm>>
      %dma_start3A_178 = arith.constant 0 : i32
      %dma_start3A_179 = tpu.memref_slice %arg2[%arg0, %arg1, %add3A_172, %dma_start3A_173, %dma_start3A_174, %dma_start3A_178] : memref<2x16x80x2x1x128xi32, #tpu.memory_space<hbm>> -> memref<1x1x1x1x1x128xi32, #tpu.memory_space<hbm>>
      %dma_start3A_180 = tpu.memref_squeeze %dma_start3A_179 : memref<1x1x1x1x1x128xi32, #tpu.memory_space<hbm>> -> memref<128xi32, #tpu.memory_space<hbm>>
      tpu.enqueue_dma source(%dma_start3A_180 : memref<128xi32, #tpu.memory_space<hbm>>) target(%arg8 : memref<128xi32, #tpu.memory_space<vmem>>) target_semaphore(%arg16 : memref<!tpu.dma_semaphore, #tpu.memory_space<semaphore_mem>>)
      %dma_start3A_181 = arith.constant 1 : i32
      %dma_start3A_182 = arith.constant 0 : i32
      %dma_start3A_183 = arith.constant 0 : i32
      %dma_start3A_184 = tpu.memref_slice %arg2[%arg0, %arg1, %add3A_172, %dma_start3A_181, %dma_start3A_182, %dma_start3A_183] : memref<2x16x80x2x1x128xi32, #tpu.memory_space<hbm>> -> memref<1x1x1x1x1x128xi32, #tpu.memory_space<hbm>>
      %dma_start3A_185 = tpu.memref_squeeze %dma_start3A_184 : memref<1x1x1x1x1x128xi32, #tpu.memory_space<hbm>> -> memref<128xi32, #tpu.memory_space<hbm>>
      %dma_start3A_186 = arith.constant 0 : i32
      %dma_start3A_187 = tpu.memref_slice %arg2[%arg0, %arg1, %add3A_172, %dma_start3A_181, %dma_start3A_182, %dma_start3A_186] : memref<2x16x80x2x1x128xi32, #tpu.memory_space<hbm>> -> memref<1x1x1x1x1x128xi32, #tpu.memory_space<hbm>>
      %dma_start3A_188 = tpu.memref_squeeze %dma_start3A_187 : memref<1x1x1x1x1x128xi32, #tpu.memory_space<hbm>> -> memref<128xi32, #tpu.memory_space<hbm>>
      tpu.enqueue_dma source(%dma_start3A_188 : memref<128xi32, #tpu.memory_space<hbm>>) target(%arg9 : memref<128xi32, #tpu.memory_space<vmem>>) target_semaphore(%arg16 : memref<!tpu.dma_semaphore, #tpu.memory_space<semaphore_mem>>)
      %scan3A_189 = arith.constant 0 : i32
      scf.yield %scan3A_189 : i32
    }
    %scan3A_63 = arith.constant 39 : i32
    %dma_wait3A_64 = arith.constant 79 : i32
    %dma_wait3A_65 = arith.constant 0 : i32
    %dma_wait3A_66 = arith.constant 0 : i32
    %dma_wait3A_67 = arith.constant 0 : i32
    %dma_wait3A_68 = tpu.memref_slice %arg2[%arg0, %arg1, %dma_wait3A_64, %dma_wait3A_65, %dma_wait3A_66, %dma_wait3A_67] : memref<2x16x80x2x1x128xi32, #tpu.memory_space<hbm>> -> memref<1x1x1x1x1x128xi32, #tpu.memory_space<hbm>>
    %dma_wait3A_69 = tpu.memref_squeeze %dma_wait3A_68 : memref<1x1x1x1x1x128xi32, #tpu.memory_space<hbm>> -> memref<128xi32, #tpu.memory_space<hbm>>
    %dma_wait3A_70 = arith.constant 0 : i32
    %dma_wait3A_71 = tpu.memref_slice %arg2[%arg0, %arg1, %dma_wait3A_64, %dma_wait3A_65, %dma_wait3A_66, %dma_wait3A_70] : memref<2x16x80x2x1x128xi32, #tpu.memory_space<hbm>> -> memref<1x1x1x1x1x128xi32, #tpu.memory_space<hbm>>
    %dma_wait3A_72 = tpu.memref_squeeze %dma_wait3A_71 : memref<1x1x1x1x1x128xi32, #tpu.memory_space<hbm>> -> memref<128xi32, #tpu.memory_space<hbm>>
    tpu.wait_dma2 semaphore(%arg16 : memref<!tpu.dma_semaphore, #tpu.memory_space<semaphore_mem>>) src(%dma_wait3A_72 : memref<128xi32, #tpu.memory_space<hbm>>) dst(%arg8 : memref<128xi32, #tpu.memory_space<vmem>>)
    %dma_wait3A_73 = arith.constant 79 : i32
    %dma_wait3A_74 = arith.constant 1 : i32
    %dma_wait3A_75 = arith.constant 0 : i32
    %dma_wait3A_76 = arith.constant 0 : i32
    %dma_wait3A_77 = tpu.memref_slice %arg2[%arg0, %arg1, %dma_wait3A_73, %dma_wait3A_74, %dma_wait3A_75, %dma_wait3A_76] : memref<2x16x80x2x1x128xi32, #tpu.memory_space<hbm>> -> memref<1x1x1x1x1x128xi32, #tpu.memory_space<hbm>>
    %dma_wait3A_78 = tpu.memref_squeeze %dma_wait3A_77 : memref<1x1x1x1x1x128xi32, #tpu.memory_space<hbm>> -> memref<128xi32, #tpu.memory_space<hbm>>
    %dma_wait3A_79 = arith.constant 0 : i32
    %dma_wait3A_80 = tpu.memref_slice %arg2[%arg0, %arg1, %dma_wait3A_73, %dma_wait3A_74, %dma_wait3A_75, %dma_wait3A_79] : memref<2x16x80x2x1x128xi32, #tpu.memory_space<hbm>> -> memref<1x1x1x1x1x128xi32, #tpu.memory_space<hbm>>
    %dma_wait3A_81 = tpu.memref_squeeze %dma_wait3A_80 : memref<1x1x1x1x1x128xi32, #tpu.memory_space<hbm>> -> memref<128xi32, #tpu.memory_space<hbm>>
    tpu.wait_dma2 semaphore(%arg16 : memref<!tpu.dma_semaphore, #tpu.memory_space<semaphore_mem>>) src(%dma_wait3A_81 : memref<128xi32, #tpu.memory_space<hbm>>) dst(%arg9 : memref<128xi32, #tpu.memory_space<vmem>>)
    %dma_wait3A_82 = arith.constant 0 : i32
    %dma_wait3A_83 = arith.constant 0 : i32
    %dma_wait3A_84 = tpu.memref_slice %arg3[%dma_wait3A_82, %dma_wait3A_83] : memref<10240x128xf32, #tpu.memory_space<hbm>> -> memref<10240x128xf32, #tpu.memory_space<hbm>>
    tpu.wait_indirect_dma semaphore(%arg13 : memref<!tpu.dma_semaphore, #tpu.memory_space<semaphore_mem>>) src(%dma_wait3A_84 : memref<10240x128xf32, #tpu.memory_space<hbm>>) dst(%arg10 : memref<128x128xf32, #tpu.memory_space<vmem>>)
    "tpu.region"() ({
      %run_scoped3A = tpu.sem_alloc : memref<!tpu.dma_semaphore, #tpu.memory_space<semaphore_mem>>
      %dma_start3A_90 = arith.constant 0 : i32
      %dma_start3A_91 = arith.constant 0 : i32
      %dma_start3A_92 = tpu.memref_slice %arg12[%dma_start3A_90, %dma_start3A_91] : memref<10240x128xf32, #tpu.memory_space<vmem_shared>> -> memref<10240x128xf32, #tpu.memory_space<vmem_shared>>
      tpu.enqueue_indirect_dma source(%arg10 : memref<128x128xf32, #tpu.memory_space<vmem>>) target(%dma_start3A_92 : memref<10240x128xf32, #tpu.memory_space<vmem_shared>>) offsets(%arg7 : memref<128xi32, #tpu.memory_space<vmem>>) semaphore(%run_scoped3A : memref<!tpu.dma_semaphore, #tpu.memory_space<semaphore_mem>>) {add = true}
      %dma_wait3A_93 = arith.constant 0 : i32
      %dma_wait3A_94 = arith.constant 0 : i32
      %dma_wait3A_95 = tpu.memref_slice %arg12[%dma_wait3A_93, %dma_wait3A_94] : memref<10240x128xf32, #tpu.memory_space<vmem_shared>> -> memref<10240x128xf32, #tpu.memory_space<vmem_shared>>
      tpu.wait_indirect_dma semaphore(%run_scoped3A : memref<!tpu.dma_semaphore, #tpu.memory_space<semaphore_mem>>) src(%arg10 : memref<128x128xf32, #tpu.memory_space<vmem>>) dst(%dma_wait3A_95 : memref<10240x128xf32, #tpu.memory_space<vmem_shared>>)
      tpu.yield
    }) : () -> ()
    %barrier3A_85 = arith.constant 0 : index
    tpu.barrier barrier_id(%barrier3A_85)
    %mul3A_86 = arith.constant 640 : i32
    %mul3A_87 = arith.muli %arg1, %mul3A_86 : i32
    %mul3A_88 = arith.constant 640 : i32
    %mul3A_89 = arith.muli %arg1, %mul3A_88 : i32
    "tpu.region"() ({
      %run_scoped3A = tpu.sem_alloc : memref<!tpu.dma_semaphore, #tpu.memory_space<semaphore_mem>>
      %dma_start3A_90 = arith.constant 0 : i32
      %dma_start3A_91 = tpu.memref_slice %arg5[%arg0, %mul3A_89, %dma_start3A_90] : memref<2x10240x128xf32, #tpu.memory_space<hbm>> -> memref<1x640x128xf32, #tpu.memory_space<hbm>>
      %dma_start3A_92 = tpu.memref_squeeze %dma_start3A_91 : memref<1x640x128xf32, #tpu.memory_space<hbm>> -> memref<640x128xf32, #tpu.memory_space<hbm>>
      %dma_start3A_93 = arith.constant 0 : i32
      %dma_start3A_94 = tpu.memref_slice %arg12[%mul3A_87, %dma_start3A_93] : memref<10240x128xf32, #tpu.memory_space<vmem_shared>> -> memref<640x128xf32, #tpu.memory_space<vmem_shared>>
      tpu.enqueue_dma source(%dma_start3A_94 : memref<640x128xf32, #tpu.memory_space<vmem_shared>>) target(%dma_start3A_92 : memref<640x128xf32, #tpu.memory_space<hbm>>) target_semaphore(%run_scoped3A : memref<!tpu.dma_semaphore, #tpu.memory_space<semaphore_mem>>)
      %dma_wait3A_95 = arith.constant 0 : i32
      %dma_wait3A_96 = tpu.memref_slice %arg5[%arg0, %mul3A_89, %dma_wait3A_95] : memref<2x10240x128xf32, #tpu.memory_space<hbm>> -> memref<1x640x128xf32, #tpu.memory_space<hbm>>
      %dma_wait3A_97 = tpu.memref_squeeze %dma_wait3A_96 : memref<1x640x128xf32, #tpu.memory_space<hbm>> -> memref<640x128xf32, #tpu.memory_space<hbm>>
      %dma_wait3A_98 = arith.constant 0 : i32
      %dma_wait3A_99 = tpu.memref_slice %arg12[%mul3A_87, %dma_wait3A_98] : memref<10240x128xf32, #tpu.memory_space<vmem_shared>> -> memref<640x128xf32, #tpu.memory_space<vmem_shared>>
      tpu.wait_dma2 semaphore(%run_scoped3A : memref<!tpu.dma_semaphore, #tpu.memory_space<semaphore_mem>>) src(%dma_wait3A_99 : memref<640x128xf32, #tpu.memory_space<vmem_shared>>) dst(%dma_wait3A_97 : memref<640x128xf32, #tpu.memory_space<hbm>>)
      tpu.yield
    }) : () -> ()
    return
  }
}

#map = affine_map<(d0, d1) -> (0, 0, 0, 0, 0, 0)>
#map1 = affine_map<(d0, d1) -> (0, 0)>
#map2 = affine_map<(d0, d1) -> (0, 0, 0)>
module attributes {stable_mosaic.version = 14 : i64} {
  func.func @_scatter_kernel(%arg0: i32, %arg1: i32, %arg2: memref<2x16x80x2x1x128xi32, #tpu.memory_space<hbm>>, %arg3: memref<10240x128xf32, #tpu.memory_space<hbm>>, %arg4: memref<10240x128xf32, #tpu.memory_space<hbm>>, %arg5: memref<2x10240x128xf32, #tpu.memory_space<hbm>>, %arg6: memref<128xi32, #tpu.memory_space<vmem>>, %arg7: memref<128xi32, #tpu.memory_space<vmem>>, %arg8: memref<128xi32, #tpu.memory_space<vmem>>, %arg9: memref<128xi32, #tpu.memory_space<vmem>>, %arg10: memref<128x128xf32, #tpu.memory_space<vmem>>, %arg11: memref<128x128xf32, #tpu.memory_space<vmem>>, %arg12: memref<10240x128xf32, #tpu.memory_space<vmem_shared>>, %arg13: memref<!tpu.dma_semaphore, #tpu.memory_space<semaphore_mem>>, %arg14: memref<!tpu.dma_semaphore, #tpu.memory_space<semaphore_mem>>, %arg15: memref<!tpu.dma_semaphore, #tpu.memory_space<semaphore_mem>>, %arg16: memref<!tpu.dma_semaphore, #tpu.memory_space<semaphore_mem>>, %arg17: memref<!tpu.dma_semaphore, #tpu.memory_space<semaphore_mem>>, %arg18: memref<!tpu.dma_semaphore, #tpu.memory_space<semaphore_mem>>) attributes {dimension_semantics = [#tpu.dimension_semantics<core_parallel>, #tpu.dimension_semantics<subcore_parallel>], iteration_bounds = array<i64: 2, 16>, scalar_prefetch = 0 : i64, scratch_operands = 13 : i64, tpu.core_type = #tpu.core_type<sc_vector_subcore>, window_params = [{transform_indices = #map}, {transform_indices = #map1}, {transform_indices = #map1}, {transform_indices = #map2}]} {
    %mul3A = arith.constant 640 : i32
    %mul3A_0 = arith.muli %arg1, %mul3A : i32
    %mul3A_1 = arith.constant 640 : i32
    %mul3A_2 = arith.muli %arg1, %mul3A_1 : i32
    "tpu.region"() ({
      %run_scoped3A = tpu.sem_alloc : memref<!tpu.dma_semaphore, #tpu.memory_space<semaphore_mem>>
      %dma_start3A_90 = arith.constant 0 : i32
      %dma_start3A_91 = tpu.memref_slice %arg12[%mul3A_2, %dma_start3A_90] : memref<10240x128xf32, #tpu.memory_space<vmem_shared>> -> memref<640x128xf32, #tpu.memory_space<vmem_shared>>
      %dma_start3A_92 = arith.constant 0 : i32
      %dma_start3A_93 = tpu.memref_slice %arg4[%mul3A_0, %dma_start3A_92] : memref<10240x128xf32, #tpu.memory_space<hbm>> -> memref<640x128xf32, #tpu.memory_space<hbm>>
      tpu.enqueue_dma source(%dma_start3A_93 : memref<640x128xf32, #tpu.memory_space<hbm>>) target(%dma_start3A_91 : memref<640x128xf32, #tpu.memory_space<vmem_shared>>) target_semaphore(%run_scoped3A : memref<!tpu.dma_semaphore, #tpu.memory_space<semaphore_mem>>)
      %dma_wait3A_94 = arith.constant 0 : i32
      %dma_wait3A_95 = tpu.memref_slice %arg12[%mul3A_2, %dma_wait3A_94] : memref<10240x128xf32, #tpu.memory_space<vmem_shared>> -> memref<640x128xf32, #tpu.memory_space<vmem_shared>>
      %dma_wait3A_96 = arith.constant 0 : i32
      %dma_wait3A_97 = tpu.memref_slice %arg4[%mul3A_0, %dma_wait3A_96] : memref<10240x128xf32, #tpu.memory_space<hbm>> -> memref<640x128xf32, #tpu.memory_space<hbm>>
      tpu.wait_dma2 semaphore(%run_scoped3A : memref<!tpu.dma_semaphore, #tpu.memory_space<semaphore_mem>>) src(%dma_wait3A_97 : memref<640x128xf32, #tpu.memory_space<hbm>>) dst(%dma_wait3A_95 : memref<640x128xf32, #tpu.memory_space<vmem_shared>>)
      tpu.yield
    }) : () -> ()
    %barrier3A = arith.constant 0 : index
    tpu.barrier barrier_id(%barrier3A)
    %dma_start3A = arith.constant 0 : i32
    %dma_start3A_3 = arith.constant 0 : i32
    %dma_start3A_4 = arith.constant 0 : i32
    %dma_start3A_5 = arith.constant 0 : i32
    %dma_start3A_6 = tpu.memref_slice %arg2[%arg0, %arg1, %dma_start3A, %dma_start3A_3, %dma_start3A_4, %dma_start3A_5] : memref<2x16x80x2x1x128xi32, #tpu.memory_space<hbm>> -> memref<1x1x1x1x1x128xi32, #tpu.memory_space<hbm>>
    %dma_start3A_7 = tpu.memref_squeeze %dma_start3A_6 : memref<1x1x1x1x1x128xi32, #tpu.memory_space<hbm>> -> memref<128xi32, #tpu.memory_space<hbm>>
    %dma_start3A_8 = arith.constant 0 : i32
    %dma_start3A_9 = tpu.memref_slice %arg2[%arg0, %arg1, %dma_start3A, %dma_start3A_3, %dma_start3A_4, %dma_start3A_8] : memref<2x16x80x2x1x128xi32, #tpu.memory_space<hbm>> -> memref<1x1x1x1x1x128xi32, #tpu.memory_space<hbm>>
    %dma_start3A_10 = tpu.memref_squeeze %dma_start3A_9 : memref<1x1x1x1x1x128xi32, #tpu.memory_space<hbm>> -> memref<128xi32, #tpu.memory_space<hbm>>
    tpu.enqueue_dma source(%dma_start3A_10 : memref<128xi32, #tpu.memory_space<hbm>>) target(%arg6 : memref<128xi32, #tpu.memory_space<vmem>>) target_semaphore(%arg15 : memref<!tpu.dma_semaphore, #tpu.memory_space<semaphore_mem>>)
    %dma_start3A_11 = arith.constant 0 : i32
    %dma_start3A_12 = arith.constant 1 : i32
    %dma_start3A_13 = arith.constant 0 : i32
    %dma_start3A_14 = arith.constant 0 : i32
    %dma_start3A_15 = tpu.memref_slice %arg2[%arg0, %arg1, %dma_start3A_11, %dma_start3A_12, %dma_start3A_13, %dma_start3A_14] : memref<2x16x80x2x1x128xi32, #tpu.memory_space<hbm>> -> memref<1x1x1x1x1x128xi32, #tpu.memory_space<hbm>>
    %dma_start3A_16 = tpu.memref_squeeze %dma_start3A_15 : memref<1x1x1x1x1x128xi32, #tpu.memory_space<hbm>> -> memref<128xi32, #tpu.memory_space<hbm>>
    %dma_start3A_17 = arith.constant 0 : i32
    %dma_start3A_18 = tpu.memref_slice %arg2[%arg0, %arg1, %dma_start3A_11, %dma_start3A_12, %dma_start3A_13, %dma_start3A_17] : memref<2x16x80x2x1x128xi32, #tpu.memory_space<hbm>> -> memref<1x1x1x1x1x128xi32, #tpu.memory_space<hbm>>
    %dma_start3A_19 = tpu.memref_squeeze %dma_start3A_18 : memref<1x1x1x1x1x128xi32, #tpu.memory_space<hbm>> -> memref<128xi32, #tpu.memory_space<hbm>>
    tpu.enqueue_dma source(%dma_start3A_19 : memref<128xi32, #tpu.memory_space<hbm>>) target(%arg7 : memref<128xi32, #tpu.memory_space<vmem>>) target_semaphore(%arg15 : memref<!tpu.dma_semaphore, #tpu.memory_space<semaphore_mem>>)
    %dma_wait3A = arith.constant 0 : i32
    %dma_wait3A_20 = arith.constant 0 : i32
    %dma_wait3A_21 = arith.constant 0 : i32
    %dma_wait3A_22 = arith.constant 0 : i32
    %dma_wait3A_23 = tpu.memref_slice %arg2[%arg0, %arg1, %dma_wait3A, %dma_wait3A_20, %dma_wait3A_21, %dma_wait3A_22] : memref<2x16x80x2x1x128xi32, #tpu.memory_space<hbm>> -> memref<1x1x1x1x1x128xi32, #tpu.memory_space<hbm>>
    %dma_wait3A_24 = tpu.memref_squeeze %dma_wait3A_23 : memref<1x1x1x1x1x128xi32, #tpu.memory_space<hbm>> -> memref<128xi32, #tpu.memory_space<hbm>>
    %dma_wait3A_25 = arith.constant 0 : i32
    %dma_wait3A_26 = tpu.memref_slice %arg2[%arg0, %arg1, %dma_wait3A, %dma_wait3A_20, %dma_wait3A_21, %dma_wait3A_25] : memref<2x16x80x2x1x128xi32, #tpu.memory_space<hbm>> -> memref<1x1x1x1x1x128xi32, #tpu.memory_space<hbm>>
    %dma_wait3A_27 = tpu.memref_squeeze %dma_wait3A_26 : memref<1x1x1x1x1x128xi32, #tpu.memory_space<hbm>> -> memref<128xi32, #tpu.memory_space<hbm>>
    tpu.wait_dma2 semaphore(%arg15 : memref<!tpu.dma_semaphore, #tpu.memory_space<semaphore_mem>>) src(%dma_wait3A_27 : memref<128xi32, #tpu.memory_space<hbm>>) dst(%arg6 : memref<128xi32, #tpu.memory_space<vmem>>)
    %dma_wait3A_28 = arith.constant 0 : i32
    %dma_wait3A_29 = arith.constant 1 : i32
    %dma_wait3A_30 = arith.constant 0 : i32
    %dma_wait3A_31 = arith.constant 0 : i32
    %dma_wait3A_32 = tpu.memref_slice %arg2[%arg0, %arg1, %dma_wait3A_28, %dma_wait3A_29, %dma_wait3A_30, %dma_wait3A_31] : memref<2x16x80x2x1x128xi32, #tpu.memory_space<hbm>> -> memref<1x1x1x1x1x128xi32, #tpu.memory_space<hbm>>
    %dma_wait3A_33 = tpu.memref_squeeze %dma_wait3A_32 : memref<1x1x1x1x1x128xi32, #tpu.memory_space<hbm>> -> memref<128xi32, #tpu.memory_space<hbm>>
    %dma_wait3A_34 = arith.constant 0 : i32
    %dma_wait3A_35 = tpu.memref_slice %arg2[%arg0, %arg1, %dma_wait3A_28, %dma_wait3A_29, %dma_wait3A_30, %dma_wait3A_34] : memref<2x16x80x2x1x128xi32, #tpu.memory_space<hbm>> -> memref<1x1x1x1x1x128xi32, #tpu.memory_space<hbm>>
    %dma_wait3A_36 = tpu.memref_squeeze %dma_wait3A_35 : memref<1x1x1x1x1x128xi32, #tpu.memory_space<hbm>> -> memref<128xi32, #tpu.memory_space<hbm>>
    tpu.wait_dma2 semaphore(%arg15 : memref<!tpu.dma_semaphore, #tpu.memory_space<semaphore_mem>>) src(%dma_wait3A_36 : memref<128xi32, #tpu.memory_space<hbm>>) dst(%arg7 : memref<128xi32, #tpu.memory_space<vmem>>)
    %dma_start3A_37 = arith.constant 0 : i32
    %dma_start3A_38 = arith.constant 0 : i32
    %dma_start3A_39 = tpu.memref_slice %arg3[%dma_start3A_37, %dma_start3A_38] : memref<10240x128xf32, #tpu.memory_space<hbm>> -> memref<10240x128xf32, #tpu.memory_space<hbm>>
    tpu.enqueue_indirect_dma source(%dma_start3A_39 : memref<10240x128xf32, #tpu.memory_space<hbm>>) target(%arg10 : memref<128x128xf32, #tpu.memory_space<vmem>>) offsets(%arg6 : memref<128xi32, #tpu.memory_space<vmem>>) semaphore(%arg13 : memref<!tpu.dma_semaphore, #tpu.memory_space<semaphore_mem>>)
    %dma_start3A_40 = arith.constant 1 : i32
    %dma_start3A_41 = arith.constant 0 : i32
    %dma_start3A_42 = arith.constant 0 : i32
    %dma_start3A_43 = arith.constant 0 : i32
    %dma_start3A_44 = tpu.memref_slice %arg2[%arg0, %arg1, %dma_start3A_40, %dma_start3A_41, %dma_start3A_42, %dma_start3A_43] : memref<2x16x80x2x1x128xi32, #tpu.memory_space<hbm>> -> memref<1x1x1x1x1x128xi32, #tpu.memory_space<hbm>>
    %dma_start3A_45 = tpu.memref_squeeze %dma_start3A_44 : memref<1x1x1x1x1x128xi32, #tpu.memory_space<hbm>> -> memref<128xi32, #tpu.memory_space<hbm>>
    %dma_start3A_46 = arith.constant 0 : i32
    %dma_start3A_47 = tpu.memref_slice %arg2[%arg0, %arg1, %dma_start3A_40, %dma_start3A_41, %dma_start3A_42, %dma_start3A_46] : memref<2x16x80x2x1x128xi32, #tpu.memory_space<hbm>> -> memref<1x1x1x1x1x128xi32, #tpu.memory_space<hbm>>
    %dma_start3A_48 = tpu.memref_squeeze %dma_start3A_47 : memref<1x1x1x1x1x128xi32, #tpu.memory_space<hbm>> -> memref<128xi32, #tpu.memory_space<hbm>>
    tpu.enqueue_dma source(%dma_start3A_48 : memref<128xi32, #tpu.memory_space<hbm>>) target(%arg8 : memref<128xi32, #tpu.memory_space<vmem>>) target_semaphore(%arg16 : memref<!tpu.dma_semaphore, #tpu.memory_space<semaphore_mem>>)
    %dma_start3A_49 = arith.constant 1 : i32
    %dma_start3A_50 = arith.constant 1 : i32
    %dma_start3A_51 = arith.constant 0 : i32
    %dma_start3A_52 = arith.constant 0 : i32
    %dma_start3A_53 = tpu.memref_slice %arg2[%arg0, %arg1, %dma_start3A_49, %dma_start3A_50, %dma_start3A_51, %dma_start3A_52] : memref<2x16x80x2x1x128xi32, #tpu.memory_space<hbm>> -> memref<1x1x1x1x1x128xi32, #tpu.memory_space<hbm>>
    %dma_start3A_54 = tpu.memref_squeeze %dma_start3A_53 : memref<1x1x1x1x1x128xi32, #tpu.memory_space<hbm>> -> memref<128xi32, #tpu.memory_space<hbm>>
    %dma_start3A_55 = arith.constant 0 : i32
    %dma_start3A_56 = tpu.memref_slice %arg2[%arg0, %arg1, %dma_start3A_49, %dma_start3A_50, %dma_start3A_51, %dma_start3A_55] : memref<2x16x80x2x1x128xi32, #tpu.memory_space<hbm>> -> memref<1x1x1x1x1x128xi32, #tpu.memory_space<hbm>>
    %dma_start3A_57 = tpu.memref_squeeze %dma_start3A_56 : memref<1x1x1x1x1x128xi32, #tpu.memory_space<hbm>> -> memref<128xi32, #tpu.memory_space<hbm>>
    tpu.enqueue_dma source(%dma_start3A_57 : memref<128xi32, #tpu.memory_space<hbm>>) target(%arg9 : memref<128xi32, #tpu.memory_space<vmem>>) target_semaphore(%arg16 : memref<!tpu.dma_semaphore, #tpu.memory_space<semaphore_mem>>)
    %scan3A = arith.constant 0 : i32
    %scan3A_58 = arith.constant 0 : i32
    %scan3A_59 = arith.constant 39 : i32
    %scan3A_60 = arith.addi %scan3A_58, %scan3A_59 : i32
    %scan3A_61 = arith.constant 1 : i32
    %scan3A_62 = scf.for %scan3A_90 = %scan3A_58 to %scan3A_60 step %scan3A_61 iter_args(%scan3A_91 = %scan3A) -> (i32)  : i32 {
      %mul3A_92 = arith.constant 2 : i32
      %mul3A_93 = arith.muli %mul3A_92, %scan3A_90 : i32
      %add3A = arith.constant 1 : i32
      %add3A_94 = arith.addi %mul3A_93, %add3A : i32
      %dma_wait3A_95 = arith.constant 0 : i32
      %dma_wait3A_96 = arith.constant 0 : i32
      %dma_wait3A_97 = arith.constant 0 : i32
      %dma_wait3A_98 = tpu.memref_slice %arg2[%arg0, %arg1, %add3A_94, %dma_wait3A_95, %dma_wait3A_96, %dma_wait3A_97] : memref<2x16x80x2x1x128xi32, #tpu.memory_space<hbm>> -> memref<1x1x1x1x1x128xi32, #tpu.memory_space<hbm>>
      %dma_wait3A_99 = tpu.memref_squeeze %dma_wait3A_98 : memref<1x1x1x1x1x128xi32, #tpu.memory_space<hbm>> -> memref<128xi32, #tpu.memory_space<hbm>>
      %dma_wait3A_100 = arith.constant 0 : i32
      %dma_wait3A_101 = tpu.memref_slice %arg2[%arg0, %arg1, %add3A_94, %dma_wait3A_95, %dma_wait3A_96, %dma_wait3A_100] : memref<2x16x80x2x1x128xi32, #tpu.memory_space<hbm>> -> memref<1x1x1x1x1x128xi32, #tpu.memory_space<hbm>>
      %dma_wait3A_102 = tpu.memref_squeeze %dma_wait3A_101 : memref<1x1x1x1x1x128xi32, #tpu.memory_space<hbm>> -> memref<128xi32, #tpu.memory_space<hbm>>
      tpu.wait_dma2 semaphore(%arg16 : memref<!tpu.dma_semaphore, #tpu.memory_space<semaphore_mem>>) src(%dma_wait3A_102 : memref<128xi32, #tpu.memory_space<hbm>>) dst(%arg8 : memref<128xi32, #tpu.memory_space<vmem>>)
      %dma_wait3A_103 = arith.constant 1 : i32
      %dma_wait3A_104 = arith.constant 0 : i32
      %dma_wait3A_105 = arith.constant 0 : i32
      %dma_wait3A_106 = tpu.memref_slice %arg2[%arg0, %arg1, %add3A_94, %dma_wait3A_103, %dma_wait3A_104, %dma_wait3A_105] : memref<2x16x80x2x1x128xi32, #tpu.memory_space<hbm>> -> memref<1x1x1x1x1x128xi32, #tpu.memory_space<hbm>>
      %dma_wait3A_107 = tpu.memref_squeeze %dma_wait3A_106 : memref<1x1x1x1x1x128xi32, #tpu.memory_space<hbm>> -> memref<128xi32, #tpu.memory_space<hbm>>
      %dma_wait3A_108 = arith.constant 0 : i32
      %dma_wait3A_109 = tpu.memref_slice %arg2[%arg0, %arg1, %add3A_94, %dma_wait3A_103, %dma_wait3A_104, %dma_wait3A_108] : memref<2x16x80x2x1x128xi32, #tpu.memory_space<hbm>> -> memref<1x1x1x1x1x128xi32, #tpu.memory_space<hbm>>
      %dma_wait3A_110 = tpu.memref_squeeze %dma_wait3A_109 : memref<1x1x1x1x1x128xi32, #tpu.memory_space<hbm>> -> memref<128xi32, #tpu.memory_space<hbm>>
      tpu.wait_dma2 semaphore(%arg16 : memref<!tpu.dma_semaphore, #tpu.memory_space<semaphore_mem>>) src(%dma_wait3A_110 : memref<128xi32, #tpu.memory_space<hbm>>) dst(%arg9 : memref<128xi32, #tpu.memory_space<vmem>>)
      %dma_start3A_111 = arith.constant 0 : i32
      %dma_start3A_112 = arith.constant 0 : i32
      %dma_start3A_113 = tpu.memref_slice %arg3[%dma_start3A_111, %dma_start3A_112] : memref<10240x128xf32, #tpu.memory_space<hbm>> -> memref<10240x128xf32, #tpu.memory_space<hbm>>
      tpu.enqueue_indirect_dma source(%dma_start3A_113 : memref<10240x128xf32, #tpu.memory_space<hbm>>) target(%arg11 : memref<128x128xf32, #tpu.memory_space<vmem>>) offsets(%arg8 : memref<128xi32, #tpu.memory_space<vmem>>) semaphore(%arg14 : memref<!tpu.dma_semaphore, #tpu.memory_space<semaphore_mem>>)
      %dma_wait3A_114 = arith.constant 0 : i32
      %dma_wait3A_115 = arith.constant 0 : i32
      %dma_wait3A_116 = tpu.memref_slice %arg3[%dma_wait3A_114, %dma_wait3A_115] : memref<10240x128xf32, #tpu.memory_space<hbm>> -> memref<10240x128xf32, #tpu.memory_space<hbm>>
      tpu.wait_indirect_dma semaphore(%arg13 : memref<!tpu.dma_semaphore, #tpu.memory_space<semaphore_mem>>) src(%dma_wait3A_116 : memref<10240x128xf32, #tpu.memory_space<hbm>>) dst(%arg10 : memref<128x128xf32, #tpu.memory_space<vmem>>)
      %dma_start3A_117 = arith.constant 0 : i32
      %dma_start3A_118 = arith.constant 0 : i32
      %dma_start3A_119 = tpu.memref_slice %arg12[%dma_start3A_117, %dma_start3A_118] : memref<10240x128xf32, #tpu.memory_space<vmem_shared>> -> memref<10240x128xf32, #tpu.memory_space<vmem_shared>>
      tpu.enqueue_indirect_dma source(%arg10 : memref<128x128xf32, #tpu.memory_space<vmem>>) target(%dma_start3A_119 : memref<10240x128xf32, #tpu.memory_space<vmem_shared>>) offsets(%arg7 : memref<128xi32, #tpu.memory_space<vmem>>) semaphore(%arg17 : memref<!tpu.dma_semaphore, #tpu.memory_space<semaphore_mem>>) {add = true}
      %dma_wait3A_120 = arith.constant 0 : i32
      %dma_wait3A_121 = arith.constant 0 : i32
      %dma_wait3A_122 = tpu.memref_slice %arg3[%dma_wait3A_120, %dma_wait3A_121] : memref<10240x128xf32, #tpu.memory_space<hbm>> -> memref<10240x128xf32, #tpu.memory_space<hbm>>
      tpu.wait_indirect_dma semaphore(%arg14 : memref<!tpu.dma_semaphore, #tpu.memory_space<semaphore_mem>>) src(%dma_wait3A_122 : memref<10240x128xf32, #tpu.memory_space<hbm>>) dst(%arg11 : memref<128x128xf32, #tpu.memory_space<vmem>>)
      %dma_wait3A_123 = arith.constant 0 : i32
      %dma_wait3A_124 = arith.constant 0 : i32
      %dma_wait3A_125 = tpu.memref_slice %arg12[%dma_wait3A_123, %dma_wait3A_124] : memref<10240x128xf32, #tpu.memory_space<vmem_shared>> -> memref<10240x128xf32, #tpu.memory_space<vmem_shared>>
      tpu.wait_indirect_dma semaphore(%arg17 : memref<!tpu.dma_semaphore, #tpu.memory_space<semaphore_mem>>) src(%arg10 : memref<128x128xf32, #tpu.memory_space<vmem>>) dst(%dma_wait3A_125 : memref<10240x128xf32, #tpu.memory_space<vmem_shared>>)
      %dma_start3A_126 = arith.constant 0 : i32
      %dma_start3A_127 = arith.constant 0 : i32
      %dma_start3A_128 = tpu.memref_slice %arg12[%dma_start3A_126, %dma_start3A_127] : memref<10240x128xf32, #tpu.memory_space<vmem_shared>> -> memref<10240x128xf32, #tpu.memory_space<vmem_shared>>
      tpu.enqueue_indirect_dma source(%arg11 : memref<128x128xf32, #tpu.memory_space<vmem>>) target(%dma_start3A_128 : memref<10240x128xf32, #tpu.memory_space<vmem_shared>>) offsets(%arg9 : memref<128xi32, #tpu.memory_space<vmem>>) semaphore(%arg18 : memref<!tpu.dma_semaphore, #tpu.memory_space<semaphore_mem>>) {add = true}
      %add3A_129 = arith.constant 2 : i32
      %add3A_130 = arith.addi %mul3A_93, %add3A_129 : i32
      %dma_start3A_131 = arith.constant 0 : i32
      %dma_start3A_132 = arith.constant 0 : i32
      %dma_start3A_133 = arith.constant 0 : i32
      %dma_start3A_134 = tpu.memref_slice %arg2[%arg0, %arg1, %add3A_130, %dma_start3A_131, %dma_start3A_132, %dma_start3A_133] : memref<2x16x80x2x1x128xi32, #tpu.memory_space<hbm>> -> memref<1x1x1x1x1x128xi32, #tpu.memory_space<hbm>>
      %dma_start3A_135 = tpu.memref_squeeze %dma_start3A_134 : memref<1x1x1x1x1x128xi32, #tpu.memory_space<hbm>> -> memref<128xi32, #tpu.memory_space<hbm>>
      %dma_start3A_136 = arith.constant 0 : i32
      %dma_start3A_137 = tpu.memref_slice %arg2[%arg0, %arg1, %add3A_130, %dma_start3A_131, %dma_start3A_132, %dma_start3A_136] : memref<2x16x80x2x1x128xi32, #tpu.memory_space<hbm>> -> memref<1x1x1x1x1x128xi32, #tpu.memory_space<hbm>>
      %dma_start3A_138 = tpu.memref_squeeze %dma_start3A_137 : memref<1x1x1x1x1x128xi32, #tpu.memory_space<hbm>> -> memref<128xi32, #tpu.memory_space<hbm>>
      tpu.enqueue_dma source(%dma_start3A_138 : memref<128xi32, #tpu.memory_space<hbm>>) target(%arg6 : memref<128xi32, #tpu.memory_space<vmem>>) target_semaphore(%arg15 : memref<!tpu.dma_semaphore, #tpu.memory_space<semaphore_mem>>)
      %dma_start3A_139 = arith.constant 1 : i32
      %dma_start3A_140 = arith.constant 0 : i32
      %dma_start3A_141 = arith.constant 0 : i32
      %dma_start3A_142 = tpu.memref_slice %arg2[%arg0, %arg1, %add3A_130, %dma_start3A_139, %dma_start3A_140, %dma_start3A_141] : memref<2x16x80x2x1x128xi32, #tpu.memory_space<hbm>> -> memref<1x1x1x1x1x128xi32, #tpu.memory_space<hbm>>
      %dma_start3A_143 = tpu.memref_squeeze %dma_start3A_142 : memref<1x1x1x1x1x128xi32, #tpu.memory_space<hbm>> -> memref<128xi32, #tpu.memory_space<hbm>>
      %dma_start3A_144 = arith.constant 0 : i32
      %dma_start3A_145 = tpu.memref_slice %arg2[%arg0, %arg1, %add3A_130, %dma_start3A_139, %dma_start3A_140, %dma_start3A_144] : memref<2x16x80x2x1x128xi32, #tpu.memory_space<hbm>> -> memref<1x1x1x1x1x128xi32, #tpu.memory_space<hbm>>
      %dma_start3A_146 = tpu.memref_squeeze %dma_start3A_145 : memref<1x1x1x1x1x128xi32, #tpu.memory_space<hbm>> -> memref<128xi32, #tpu.memory_space<hbm>>
      tpu.enqueue_dma source(%dma_start3A_146 : memref<128xi32, #tpu.memory_space<hbm>>) target(%arg7 : memref<128xi32, #tpu.memory_space<vmem>>) target_semaphore(%arg15 : memref<!tpu.dma_semaphore, #tpu.memory_space<semaphore_mem>>)
      %add3A_147 = arith.constant 2 : i32
      %add3A_148 = arith.addi %mul3A_93, %add3A_147 : i32
      %dma_wait3A_149 = arith.constant 0 : i32
      %dma_wait3A_150 = arith.constant 0 : i32
      %dma_wait3A_151 = arith.constant 0 : i32
      %dma_wait3A_152 = tpu.memref_slice %arg2[%arg0, %arg1, %add3A_148, %dma_wait3A_149, %dma_wait3A_150, %dma_wait3A_151] : memref<2x16x80x2x1x128xi32, #tpu.memory_space<hbm>> -> memref<1x1x1x1x1x128xi32, #tpu.memory_space<hbm>>
      %dma_wait3A_153 = tpu.memref_squeeze %dma_wait3A_152 : memref<1x1x1x1x1x128xi32, #tpu.memory_space<hbm>> -> memref<128xi32, #tpu.memory_space<hbm>>
      %dma_wait3A_154 = arith.constant 0 : i32
      %dma_wait3A_155 = tpu.memref_slice %arg2[%arg0, %arg1, %add3A_148, %dma_wait3A_149, %dma_wait3A_150, %dma_wait3A_154] : memref<2x16x80x2x1x128xi32, #tpu.memory_space<hbm>> -> memref<1x1x1x1x1x128xi32, #tpu.memory_space<hbm>>
      %dma_wait3A_156 = tpu.memref_squeeze %dma_wait3A_155 : memref<1x1x1x1x1x128xi32, #tpu.memory_space<hbm>> -> memref<128xi32, #tpu.memory_space<hbm>>
      tpu.wait_dma2 semaphore(%arg15 : memref<!tpu.dma_semaphore, #tpu.memory_space<semaphore_mem>>) src(%dma_wait3A_156 : memref<128xi32, #tpu.memory_space<hbm>>) dst(%arg6 : memref<128xi32, #tpu.memory_space<vmem>>)
      %dma_wait3A_157 = arith.constant 1 : i32
      %dma_wait3A_158 = arith.constant 0 : i32
      %dma_wait3A_159 = arith.constant 0 : i32
      %dma_wait3A_160 = tpu.memref_slice %arg2[%arg0, %arg1, %add3A_148, %dma_wait3A_157, %dma_wait3A_158, %dma_wait3A_159] : memref<2x16x80x2x1x128xi32, #tpu.memory_space<hbm>> -> memref<1x1x1x1x1x128xi32, #tpu.memory_space<hbm>>
      %dma_wait3A_161 = tpu.memref_squeeze %dma_wait3A_160 : memref<1x1x1x1x1x128xi32, #tpu.memory_space<hbm>> -> memref<128xi32, #tpu.memory_space<hbm>>
      %dma_wait3A_162 = arith.constant 0 : i32
      %dma_wait3A_163 = tpu.memref_slice %arg2[%arg0, %arg1, %add3A_148, %dma_wait3A_157, %dma_wait3A_158, %dma_wait3A_162] : memref<2x16x80x2x1x128xi32, #tpu.memory_space<hbm>> -> memref<1x1x1x1x1x128xi32, #tpu.memory_space<hbm>>
      %dma_wait3A_164 = tpu.memref_squeeze %dma_wait3A_163 : memref<1x1x1x1x1x128xi32, #tpu.memory_space<hbm>> -> memref<128xi32, #tpu.memory_space<hbm>>
      tpu.wait_dma2 semaphore(%arg15 : memref<!tpu.dma_semaphore, #tpu.memory_space<semaphore_mem>>) src(%dma_wait3A_164 : memref<128xi32, #tpu.memory_space<hbm>>) dst(%arg7 : memref<128xi32, #tpu.memory_space<vmem>>)
      %dma_start3A_165 = arith.constant 0 : i32
      %dma_start3A_166 = arith.constant 0 : i32
      %dma_start3A_167 = tpu.memref_slice %arg3[%dma_start3A_165, %dma_start3A_166] : memref<10240x128xf32, #tpu.memory_space<hbm>> -> memref<10240x128xf32, #tpu.memory_space<hbm>>
      tpu.enqueue_indirect_dma source(%dma_start3A_167 : memref<10240x128xf32, #tpu.memory_space<hbm>>) target(%arg10 : memref<128x128xf32, #tpu.memory_space<vmem>>) offsets(%arg6 : memref<128xi32, #tpu.memory_space<vmem>>) semaphore(%arg13 : memref<!tpu.dma_semaphore, #tpu.memory_space<semaphore_mem>>)
      %dma_wait3A_168 = arith.constant 0 : i32
      %dma_wait3A_169 = arith.constant 0 : i32
      %dma_wait3A_170 = tpu.memref_slice %arg12[%dma_wait3A_168, %dma_wait3A_169] : memref<10240x128xf32, #tpu.memory_space<vmem_shared>> -> memref<10240x128xf32, #tpu.memory_space<vmem_shared>>
      tpu.wait_indirect_dma semaphore(%arg18 : memref<!tpu.dma_semaphore, #tpu.memory_space<semaphore_mem>>) src(%arg11 : memref<128x128xf32, #tpu.memory_space<vmem>>) dst(%dma_wait3A_170 : memref<10240x128xf32, #tpu.memory_space<vmem_shared>>)
      %add3A_171 = arith.constant 3 : i32
      %add3A_172 = arith.addi %mul3A_93, %add3A_171 : i32
      %dma_start3A_173 = arith.constant 0 : i32
      %dma_start3A_174 = arith.constant 0 : i32
      %dma_start3A_175 = arith.constant 0 : i32
      %dma_start3A_176 = tpu.memref_slice %arg2[%arg0, %arg1, %add3A_172, %dma_start3A_173, %dma_start3A_174, %dma_start3A_175] : memref<2x16x80x2x1x128xi32, #tpu.memory_space<hbm>> -> memref<1x1x1x1x1x128xi32, #tpu.memory_space<hbm>>
      %dma_start3A_177 = tpu.memref_squeeze %dma_start3A_176 : memref<1x1x1x1x1x128xi32, #tpu.memory_space<hbm>> -> memref<128xi32, #tpu.memory_space<hbm>>
      %dma_start3A_178 = arith.constant 0 : i32
      %dma_start3A_179 = tpu.memref_slice %arg2[%arg0, %arg1, %add3A_172, %dma_start3A_173, %dma_start3A_174, %dma_start3A_178] : memref<2x16x80x2x1x128xi32, #tpu.memory_space<hbm>> -> memref<1x1x1x1x1x128xi32, #tpu.memory_space<hbm>>
      %dma_start3A_180 = tpu.memref_squeeze %dma_start3A_179 : memref<1x1x1x1x1x128xi32, #tpu.memory_space<hbm>> -> memref<128xi32, #tpu.memory_space<hbm>>
      tpu.enqueue_dma source(%dma_start3A_180 : memref<128xi32, #tpu.memory_space<hbm>>) target(%arg8 : memref<128xi32, #tpu.memory_space<vmem>>) target_semaphore(%arg16 : memref<!tpu.dma_semaphore, #tpu.memory_space<semaphore_mem>>)
      %dma_start3A_181 = arith.constant 1 : i32
      %dma_start3A_182 = arith.constant 0 : i32
      %dma_start3A_183 = arith.constant 0 : i32
      %dma_start3A_184 = tpu.memref_slice %arg2[%arg0, %arg1, %add3A_172, %dma_start3A_181, %dma_start3A_182, %dma_start3A_183] : memref<2x16x80x2x1x128xi32, #tpu.memory_space<hbm>> -> memref<1x1x1x1x1x128xi32, #tpu.memory_space<hbm>>
      %dma_start3A_185 = tpu.memref_squeeze %dma_start3A_184 : memref<1x1x1x1x1x128xi32, #tpu.memory_space<hbm>> -> memref<128xi32, #tpu.memory_space<hbm>>
      %dma_start3A_186 = arith.constant 0 : i32
      %dma_start3A_187 = tpu.memref_slice %arg2[%arg0, %arg1, %add3A_172, %dma_start3A_181, %dma_start3A_182, %dma_start3A_186] : memref<2x16x80x2x1x128xi32, #tpu.memory_space<hbm>> -> memref<1x1x1x1x1x128xi32, #tpu.memory_space<hbm>>
      %dma_start3A_188 = tpu.memref_squeeze %dma_start3A_187 : memref<1x1x1x1x1x128xi32, #tpu.memory_space<hbm>> -> memref<128xi32, #tpu.memory_space<hbm>>
      tpu.enqueue_dma source(%dma_start3A_188 : memref<128xi32, #tpu.memory_space<hbm>>) target(%arg9 : memref<128xi32, #tpu.memory_space<vmem>>) target_semaphore(%arg16 : memref<!tpu.dma_semaphore, #tpu.memory_space<semaphore_mem>>)
      %scan3A_189 = arith.constant 0 : i32
      scf.yield %scan3A_189 : i32
    }
    %scan3A_63 = arith.constant 39 : i32
    %dma_wait3A_64 = arith.constant 79 : i32
    %dma_wait3A_65 = arith.constant 0 : i32
    %dma_wait3A_66 = arith.constant 0 : i32
    %dma_wait3A_67 = arith.constant 0 : i32
    %dma_wait3A_68 = tpu.memref_slice %arg2[%arg0, %arg1, %dma_wait3A_64, %dma_wait3A_65, %dma_wait3A_66, %dma_wait3A_67] : memref<2x16x80x2x1x128xi32, #tpu.memory_space<hbm>> -> memref<1x1x1x1x1x128xi32, #tpu.memory_space<hbm>>
    %dma_wait3A_69 = tpu.memref_squeeze %dma_wait3A_68 : memref<1x1x1x1x1x128xi32, #tpu.memory_space<hbm>> -> memref<128xi32, #tpu.memory_space<hbm>>
    %dma_wait3A_70 = arith.constant 0 : i32
    %dma_wait3A_71 = tpu.memref_slice %arg2[%arg0, %arg1, %dma_wait3A_64, %dma_wait3A_65, %dma_wait3A_66, %dma_wait3A_70] : memref<2x16x80x2x1x128xi32, #tpu.memory_space<hbm>> -> memref<1x1x1x1x1x128xi32, #tpu.memory_space<hbm>>
    %dma_wait3A_72 = tpu.memref_squeeze %dma_wait3A_71 : memref<1x1x1x1x1x128xi32, #tpu.memory_space<hbm>> -> memref<128xi32, #tpu.memory_space<hbm>>
    tpu.wait_dma2 semaphore(%arg16 : memref<!tpu.dma_semaphore, #tpu.memory_space<semaphore_mem>>) src(%dma_wait3A_72 : memref<128xi32, #tpu.memory_space<hbm>>) dst(%arg8 : memref<128xi32, #tpu.memory_space<vmem>>)
    %dma_wait3A_73 = arith.constant 79 : i32
    %dma_wait3A_74 = arith.constant 1 : i32
    %dma_wait3A_75 = arith.constant 0 : i32
    %dma_wait3A_76 = arith.constant 0 : i32
    %dma_wait3A_77 = tpu.memref_slice %arg2[%arg0, %arg1, %dma_wait3A_73, %dma_wait3A_74, %dma_wait3A_75, %dma_wait3A_76] : memref<2x16x80x2x1x128xi32, #tpu.memory_space<hbm>> -> memref<1x1x1x1x1x128xi32, #tpu.memory_space<hbm>>
    %dma_wait3A_78 = tpu.memref_squeeze %dma_wait3A_77 : memref<1x1x1x1x1x128xi32, #tpu.memory_space<hbm>> -> memref<128xi32, #tpu.memory_space<hbm>>
    %dma_wait3A_79 = arith.constant 0 : i32
    %dma_wait3A_80 = tpu.memref_slice %arg2[%arg0, %arg1, %dma_wait3A_73, %dma_wait3A_74, %dma_wait3A_75, %dma_wait3A_79] : memref<2x16x80x2x1x128xi32, #tpu.memory_space<hbm>> -> memref<1x1x1x1x1x128xi32, #tpu.memory_space<hbm>>
    %dma_wait3A_81 = tpu.memref_squeeze %dma_wait3A_80 : memref<1x1x1x1x1x128xi32, #tpu.memory_space<hbm>> -> memref<128xi32, #tpu.memory_space<hbm>>
    tpu.wait_dma2 semaphore(%arg16 : memref<!tpu.dma_semaphore, #tpu.memory_space<semaphore_mem>>) src(%dma_wait3A_81 : memref<128xi32, #tpu.memory_space<hbm>>) dst(%arg9 : memref<128xi32, #tpu.memory_space<vmem>>)
    %dma_wait3A_82 = arith.constant 0 : i32
    %dma_wait3A_83 = arith.constant 0 : i32
    %dma_wait3A_84 = tpu.memref_slice %arg3[%dma_wait3A_82, %dma_wait3A_83] : memref<10240x128xf32, #tpu.memory_space<hbm>> -> memref<10240x128xf32, #tpu.memory_space<hbm>>
    tpu.wait_indirect_dma semaphore(%arg13 : memref<!tpu.dma_semaphore, #tpu.memory_space<semaphore_mem>>) src(%dma_wait3A_84 : memref<10240x128xf32, #tpu.memory_space<hbm>>) dst(%arg10 : memref<128x128xf32, #tpu.memory_space<vmem>>)
    "tpu.region"() ({
      %run_scoped3A = tpu.sem_alloc : memref<!tpu.dma_semaphore, #tpu.memory_space<semaphore_mem>>
      %dma_start3A_90 = arith.constant 0 : i32
      %dma_start3A_91 = arith.constant 0 : i32
      %dma_start3A_92 = tpu.memref_slice %arg12[%dma_start3A_90, %dma_start3A_91] : memref<10240x128xf32, #tpu.memory_space<vmem_shared>> -> memref<10240x128xf32, #tpu.memory_space<vmem_shared>>
      tpu.enqueue_indirect_dma source(%arg10 : memref<128x128xf32, #tpu.memory_space<vmem>>) target(%dma_start3A_92 : memref<10240x128xf32, #tpu.memory_space<vmem_shared>>) offsets(%arg7 : memref<128xi32, #tpu.memory_space<vmem>>) semaphore(%run_scoped3A : memref<!tpu.dma_semaphore, #tpu.memory_space<semaphore_mem>>) {add = true}
      %dma_wait3A_93 = arith.constant 0 : i32
      %dma_wait3A_94 = arith.constant 0 : i32
      %dma_wait3A_95 = tpu.memref_slice %arg12[%dma_wait3A_93, %dma_wait3A_94] : memref<10240x128xf32, #tpu.memory_space<vmem_shared>> -> memref<10240x128xf32, #tpu.memory_space<vmem_shared>>
      tpu.wait_indirect_dma semaphore(%run_scoped3A : memref<!tpu.dma_semaphore, #tpu.memory_space<semaphore_mem>>) src(%arg10 : memref<128x128xf32, #tpu.memory_space<vmem>>) dst(%dma_wait3A_95 : memref<10240x128xf32, #tpu.memory_space<vmem_shared>>)
      tpu.yield
    }) : () -> ()
    %barrier3A_85 = arith.constant 0 : index
    tpu.barrier barrier_id(%barrier3A_85)
    %mul3A_86 = arith.constant 640 : i32
    %mul3A_87 = arith.muli %arg1, %mul3A_86 : i32
    %mul3A_88 = arith.constant 640 : i32
    %mul3A_89 = arith.muli %arg1, %mul3A_88 : i32
    "tpu.region"() ({
      %run_scoped3A = tpu.sem_alloc : memref<!tpu.dma_semaphore, #tpu.memory_space<semaphore_mem>>
      %dma_start3A_90 = arith.constant 0 : i32
      %dma_start3A_91 = tpu.memref_slice %arg5[%arg0, %mul3A_89, %dma_start3A_90] : memref<2x10240x128xf32, #tpu.memory_space<hbm>> -> memref<1x640x128xf32, #tpu.memory_space<hbm>>
      %dma_start3A_92 = tpu.memref_squeeze %dma_start3A_91 : memref<1x640x128xf32, #tpu.memory_space<hbm>> -> memref<640x128xf32, #tpu.memory_space<hbm>>
      %dma_start3A_93 = arith.constant 0 : i32
      %dma_start3A_94 = tpu.memref_slice %arg12[%mul3A_87, %dma_start3A_93] : memref<10240x128xf32, #tpu.memory_space<vmem_shared>> -> memref<640x128xf32, #tpu.memory_space<vmem_shared>>
      tpu.enqueue_dma source(%dma_start3A_94 : memref<640x128xf32, #tpu.memory_space<vmem_shared>>) target(%dma_start3A_92 : memref<640x128xf32, #tpu.memory_space<hbm>>) target_semaphore(%run_scoped3A : memref<!tpu.dma_semaphore, #tpu.memory_space<semaphore_mem>>)
      %dma_wait3A_95 = arith.constant 0 : i32
      %dma_wait3A_96 = tpu.memref_slice %arg5[%arg0, %mul3A_89, %dma_wait3A_95] : memref<2x10240x128xf32, #tpu.memory_space<hbm>> -> memref<1x640x128xf32, #tpu.memory_space<hbm>>
      %dma_wait3A_97 = tpu.memref_squeeze %dma_wait3A_96 : memref<1x640x128xf32, #tpu.memory_space<hbm>> -> memref<640x128xf32, #tpu.memory_space<hbm>>
      %dma_wait3A_98 = arith.constant 0 : i32
      %dma_wait3A_99 = tpu.memref_slice %arg12[%mul3A_87, %dma_wait3A_98] : memref<10240x128xf32, #tpu.memory_space<vmem_shared>> -> memref<640x128xf32, #tpu.memory_space<vmem_shared>>
      tpu.wait_dma2 semaphore(%run_scoped3A : memref<!tpu.dma_semaphore, #tpu.memory_space<semaphore_mem>>) src(%dma_wait3A_99 : memref<640x128xf32, #tpu.memory_space<vmem_shared>>) dst(%dma_wait3A_97 : memref<640x128xf32, #tpu.memory_space<hbm>>)
      tpu.yield
    }) : () -> ()
    return
  }
}

#map = affine_map<(d0, d1) -> (0, 0, 0, 0, 0, 0)>
#map1 = affine_map<(d0, d1) -> (0, 0)>
#map2 = affine_map<(d0, d1) -> (0, 0, 0)>
module attributes {stable_mosaic.version = 14 : i64} {
  func.func @_scatter_kernel(%arg0: i32, %arg1: i32, %arg2: memref<2x16x80x2x1x128xi32, #tpu.memory_space<hbm>>, %arg3: memref<10240x128xf32, #tpu.memory_space<hbm>>, %arg4: memref<10240x128xf32, #tpu.memory_space<hbm>>, %arg5: memref<2x10240x128xf32, #tpu.memory_space<hbm>>, %arg6: memref<128xi32, #tpu.memory_space<vmem>>, %arg7: memref<128xi32, #tpu.memory_space<vmem>>, %arg8: memref<128xi32, #tpu.memory_space<vmem>>, %arg9: memref<128xi32, #tpu.memory_space<vmem>>, %arg10: memref<128x128xf32, #tpu.memory_space<vmem>>, %arg11: memref<128x128xf32, #tpu.memory_space<vmem>>, %arg12: memref<10240x128xf32, #tpu.memory_space<vmem_shared>>, %arg13: memref<!tpu.dma_semaphore, #tpu.memory_space<semaphore_mem>>, %arg14: memref<!tpu.dma_semaphore, #tpu.memory_space<semaphore_mem>>, %arg15: memref<!tpu.dma_semaphore, #tpu.memory_space<semaphore_mem>>, %arg16: memref<!tpu.dma_semaphore, #tpu.memory_space<semaphore_mem>>, %arg17: memref<!tpu.dma_semaphore, #tpu.memory_space<semaphore_mem>>, %arg18: memref<!tpu.dma_semaphore, #tpu.memory_space<semaphore_mem>>) attributes {dimension_semantics = [#tpu.dimension_semantics<core_parallel>, #tpu.dimension_semantics<subcore_parallel>], iteration_bounds = array<i64: 2, 16>, scalar_prefetch = 0 : i64, scratch_operands = 13 : i64, tpu.core_type = #tpu.core_type<sc_vector_subcore>, window_params = [{transform_indices = #map}, {transform_indices = #map1}, {transform_indices = #map1}, {transform_indices = #map2}]} {
    %mul3A = arith.constant 640 : i32
    %mul3A_0 = arith.muli %arg1, %mul3A : i32
    %mul3A_1 = arith.constant 640 : i32
    %mul3A_2 = arith.muli %arg1, %mul3A_1 : i32
    "tpu.region"() ({
      %run_scoped3A = tpu.sem_alloc : memref<!tpu.dma_semaphore, #tpu.memory_space<semaphore_mem>>
      %dma_start3A_90 = arith.constant 0 : i32
      %dma_start3A_91 = tpu.memref_slice %arg12[%mul3A_2, %dma_start3A_90] : memref<10240x128xf32, #tpu.memory_space<vmem_shared>> -> memref<640x128xf32, #tpu.memory_space<vmem_shared>>
      %dma_start3A_92 = arith.constant 0 : i32
      %dma_start3A_93 = tpu.memref_slice %arg4[%mul3A_0, %dma_start3A_92] : memref<10240x128xf32, #tpu.memory_space<hbm>> -> memref<640x128xf32, #tpu.memory_space<hbm>>
      tpu.enqueue_dma source(%dma_start3A_93 : memref<640x128xf32, #tpu.memory_space<hbm>>) target(%dma_start3A_91 : memref<640x128xf32, #tpu.memory_space<vmem_shared>>) target_semaphore(%run_scoped3A : memref<!tpu.dma_semaphore, #tpu.memory_space<semaphore_mem>>)
      %dma_wait3A_94 = arith.constant 0 : i32
      %dma_wait3A_95 = tpu.memref_slice %arg12[%mul3A_2, %dma_wait3A_94] : memref<10240x128xf32, #tpu.memory_space<vmem_shared>> -> memref<640x128xf32, #tpu.memory_space<vmem_shared>>
      %dma_wait3A_96 = arith.constant 0 : i32
      %dma_wait3A_97 = tpu.memref_slice %arg4[%mul3A_0, %dma_wait3A_96] : memref<10240x128xf32, #tpu.memory_space<hbm>> -> memref<640x128xf32, #tpu.memory_space<hbm>>
      tpu.wait_dma2 semaphore(%run_scoped3A : memref<!tpu.dma_semaphore, #tpu.memory_space<semaphore_mem>>) src(%dma_wait3A_97 : memref<640x128xf32, #tpu.memory_space<hbm>>) dst(%dma_wait3A_95 : memref<640x128xf32, #tpu.memory_space<vmem_shared>>)
      tpu.yield
    }) : () -> ()
    %barrier3A = arith.constant 0 : index
    tpu.barrier barrier_id(%barrier3A)
    %dma_start3A = arith.constant 0 : i32
    %dma_start3A_3 = arith.constant 0 : i32
    %dma_start3A_4 = arith.constant 0 : i32
    %dma_start3A_5 = arith.constant 0 : i32
    %dma_start3A_6 = tpu.memref_slice %arg2[%arg0, %arg1, %dma_start3A, %dma_start3A_3, %dma_start3A_4, %dma_start3A_5] : memref<2x16x80x2x1x128xi32, #tpu.memory_space<hbm>> -> memref<1x1x1x1x1x128xi32, #tpu.memory_space<hbm>>
    %dma_start3A_7 = tpu.memref_squeeze %dma_start3A_6 : memref<1x1x1x1x1x128xi32, #tpu.memory_space<hbm>> -> memref<128xi32, #tpu.memory_space<hbm>>
    %dma_start3A_8 = arith.constant 0 : i32
    %dma_start3A_9 = tpu.memref_slice %arg2[%arg0, %arg1, %dma_start3A, %dma_start3A_3, %dma_start3A_4, %dma_start3A_8] : memref<2x16x80x2x1x128xi32, #tpu.memory_space<hbm>> -> memref<1x1x1x1x1x128xi32, #tpu.memory_space<hbm>>
    %dma_start3A_10 = tpu.memref_squeeze %dma_start3A_9 : memref<1x1x1x1x1x128xi32, #tpu.memory_space<hbm>> -> memref<128xi32, #tpu.memory_space<hbm>>
    tpu.enqueue_dma source(%dma_start3A_10 : memref<128xi32, #tpu.memory_space<hbm>>) target(%arg6 : memref<128xi32, #tpu.memory_space<vmem>>) target_semaphore(%arg15 : memref<!tpu.dma_semaphore, #tpu.memory_space<semaphore_mem>>)
    %dma_start3A_11 = arith.constant 0 : i32
    %dma_start3A_12 = arith.constant 1 : i32
    %dma_start3A_13 = arith.constant 0 : i32
    %dma_start3A_14 = arith.constant 0 : i32
    %dma_start3A_15 = tpu.memref_slice %arg2[%arg0, %arg1, %dma_start3A_11, %dma_start3A_12, %dma_start3A_13, %dma_start3A_14] : memref<2x16x80x2x1x128xi32, #tpu.memory_space<hbm>> -> memref<1x1x1x1x1x128xi32, #tpu.memory_space<hbm>>
    %dma_start3A_16 = tpu.memref_squeeze %dma_start3A_15 : memref<1x1x1x1x1x128xi32, #tpu.memory_space<hbm>> -> memref<128xi32, #tpu.memory_space<hbm>>
    %dma_start3A_17 = arith.constant 0 : i32
    %dma_start3A_18 = tpu.memref_slice %arg2[%arg0, %arg1, %dma_start3A_11, %dma_start3A_12, %dma_start3A_13, %dma_start3A_17] : memref<2x16x80x2x1x128xi32, #tpu.memory_space<hbm>> -> memref<1x1x1x1x1x128xi32, #tpu.memory_space<hbm>>
    %dma_start3A_19 = tpu.memref_squeeze %dma_start3A_18 : memref<1x1x1x1x1x128xi32, #tpu.memory_space<hbm>> -> memref<128xi32, #tpu.memory_space<hbm>>
    tpu.enqueue_dma source(%dma_start3A_19 : memref<128xi32, #tpu.memory_space<hbm>>) target(%arg7 : memref<128xi32, #tpu.memory_space<vmem>>) target_semaphore(%arg15 : memref<!tpu.dma_semaphore, #tpu.memory_space<semaphore_mem>>)
    %dma_wait3A = arith.constant 0 : i32
    %dma_wait3A_20 = arith.constant 0 : i32
    %dma_wait3A_21 = arith.constant 0 : i32
    %dma_wait3A_22 = arith.constant 0 : i32
    %dma_wait3A_23 = tpu.memref_slice %arg2[%arg0, %arg1, %dma_wait3A, %dma_wait3A_20, %dma_wait3A_21, %dma_wait3A_22] : memref<2x16x80x2x1x128xi32, #tpu.memory_space<hbm>> -> memref<1x1x1x1x1x128xi32, #tpu.memory_space<hbm>>
    %dma_wait3A_24 = tpu.memref_squeeze %dma_wait3A_23 : memref<1x1x1x1x1x128xi32, #tpu.memory_space<hbm>> -> memref<128xi32, #tpu.memory_space<hbm>>
    %dma_wait3A_25 = arith.constant 0 : i32
    %dma_wait3A_26 = tpu.memref_slice %arg2[%arg0, %arg1, %dma_wait3A, %dma_wait3A_20, %dma_wait3A_21, %dma_wait3A_25] : memref<2x16x80x2x1x128xi32, #tpu.memory_space<hbm>> -> memref<1x1x1x1x1x128xi32, #tpu.memory_space<hbm>>
    %dma_wait3A_27 = tpu.memref_squeeze %dma_wait3A_26 : memref<1x1x1x1x1x128xi32, #tpu.memory_space<hbm>> -> memref<128xi32, #tpu.memory_space<hbm>>
    tpu.wait_dma2 semaphore(%arg15 : memref<!tpu.dma_semaphore, #tpu.memory_space<semaphore_mem>>) src(%dma_wait3A_27 : memref<128xi32, #tpu.memory_space<hbm>>) dst(%arg6 : memref<128xi32, #tpu.memory_space<vmem>>)
    %dma_wait3A_28 = arith.constant 0 : i32
    %dma_wait3A_29 = arith.constant 1 : i32
    %dma_wait3A_30 = arith.constant 0 : i32
    %dma_wait3A_31 = arith.constant 0 : i32
    %dma_wait3A_32 = tpu.memref_slice %arg2[%arg0, %arg1, %dma_wait3A_28, %dma_wait3A_29, %dma_wait3A_30, %dma_wait3A_31] : memref<2x16x80x2x1x128xi32, #tpu.memory_space<hbm>> -> memref<1x1x1x1x1x128xi32, #tpu.memory_space<hbm>>
    %dma_wait3A_33 = tpu.memref_squeeze %dma_wait3A_32 : memref<1x1x1x1x1x128xi32, #tpu.memory_space<hbm>> -> memref<128xi32, #tpu.memory_space<hbm>>
    %dma_wait3A_34 = arith.constant 0 : i32
    %dma_wait3A_35 = tpu.memref_slice %arg2[%arg0, %arg1, %dma_wait3A_28, %dma_wait3A_29, %dma_wait3A_30, %dma_wait3A_34] : memref<2x16x80x2x1x128xi32, #tpu.memory_space<hbm>> -> memref<1x1x1x1x1x128xi32, #tpu.memory_space<hbm>>
    %dma_wait3A_36 = tpu.memref_squeeze %dma_wait3A_35 : memref<1x1x1x1x1x128xi32, #tpu.memory_space<hbm>> -> memref<128xi32, #tpu.memory_space<hbm>>
    tpu.wait_dma2 semaphore(%arg15 : memref<!tpu.dma_semaphore, #tpu.memory_space<semaphore_mem>>) src(%dma_wait3A_36 : memref<128xi32, #tpu.memory_space<hbm>>) dst(%arg7 : memref<128xi32, #tpu.memory_space<vmem>>)
    %dma_start3A_37 = arith.constant 0 : i32
    %dma_start3A_38 = arith.constant 0 : i32
    %dma_start3A_39 = tpu.memref_slice %arg3[%dma_start3A_37, %dma_start3A_38] : memref<10240x128xf32, #tpu.memory_space<hbm>> -> memref<10240x128xf32, #tpu.memory_space<hbm>>
    tpu.enqueue_indirect_dma source(%dma_start3A_39 : memref<10240x128xf32, #tpu.memory_space<hbm>>) target(%arg10 : memref<128x128xf32, #tpu.memory_space<vmem>>) offsets(%arg6 : memref<128xi32, #tpu.memory_space<vmem>>) semaphore(%arg13 : memref<!tpu.dma_semaphore, #tpu.memory_space<semaphore_mem>>)
    %dma_start3A_40 = arith.constant 1 : i32
    %dma_start3A_41 = arith.constant 0 : i32
    %dma_start3A_42 = arith.constant 0 : i32
    %dma_start3A_43 = arith.constant 0 : i32
    %dma_start3A_44 = tpu.memref_slice %arg2[%arg0, %arg1, %dma_start3A_40, %dma_start3A_41, %dma_start3A_42, %dma_start3A_43] : memref<2x16x80x2x1x128xi32, #tpu.memory_space<hbm>> -> memref<1x1x1x1x1x128xi32, #tpu.memory_space<hbm>>
    %dma_start3A_45 = tpu.memref_squeeze %dma_start3A_44 : memref<1x1x1x1x1x128xi32, #tpu.memory_space<hbm>> -> memref<128xi32, #tpu.memory_space<hbm>>
    %dma_start3A_46 = arith.constant 0 : i32
    %dma_start3A_47 = tpu.memref_slice %arg2[%arg0, %arg1, %dma_start3A_40, %dma_start3A_41, %dma_start3A_42, %dma_start3A_46] : memref<2x16x80x2x1x128xi32, #tpu.memory_space<hbm>> -> memref<1x1x1x1x1x128xi32, #tpu.memory_space<hbm>>
    %dma_start3A_48 = tpu.memref_squeeze %dma_start3A_47 : memref<1x1x1x1x1x128xi32, #tpu.memory_space<hbm>> -> memref<128xi32, #tpu.memory_space<hbm>>
    tpu.enqueue_dma source(%dma_start3A_48 : memref<128xi32, #tpu.memory_space<hbm>>) target(%arg8 : memref<128xi32, #tpu.memory_space<vmem>>) target_semaphore(%arg16 : memref<!tpu.dma_semaphore, #tpu.memory_space<semaphore_mem>>)
    %dma_start3A_49 = arith.constant 1 : i32
    %dma_start3A_50 = arith.constant 1 : i32
    %dma_start3A_51 = arith.constant 0 : i32
    %dma_start3A_52 = arith.constant 0 : i32
    %dma_start3A_53 = tpu.memref_slice %arg2[%arg0, %arg1, %dma_start3A_49, %dma_start3A_50, %dma_start3A_51, %dma_start3A_52] : memref<2x16x80x2x1x128xi32, #tpu.memory_space<hbm>> -> memref<1x1x1x1x1x128xi32, #tpu.memory_space<hbm>>
    %dma_start3A_54 = tpu.memref_squeeze %dma_start3A_53 : memref<1x1x1x1x1x128xi32, #tpu.memory_space<hbm>> -> memref<128xi32, #tpu.memory_space<hbm>>
    %dma_start3A_55 = arith.constant 0 : i32
    %dma_start3A_56 = tpu.memref_slice %arg2[%arg0, %arg1, %dma_start3A_49, %dma_start3A_50, %dma_start3A_51, %dma_start3A_55] : memref<2x16x80x2x1x128xi32, #tpu.memory_space<hbm>> -> memref<1x1x1x1x1x128xi32, #tpu.memory_space<hbm>>
    %dma_start3A_57 = tpu.memref_squeeze %dma_start3A_56 : memref<1x1x1x1x1x128xi32, #tpu.memory_space<hbm>> -> memref<128xi32, #tpu.memory_space<hbm>>
    tpu.enqueue_dma source(%dma_start3A_57 : memref<128xi32, #tpu.memory_space<hbm>>) target(%arg9 : memref<128xi32, #tpu.memory_space<vmem>>) target_semaphore(%arg16 : memref<!tpu.dma_semaphore, #tpu.memory_space<semaphore_mem>>)
    %scan3A = arith.constant 0 : i32
    %scan3A_58 = arith.constant 0 : i32
    %scan3A_59 = arith.constant 39 : i32
    %scan3A_60 = arith.addi %scan3A_58, %scan3A_59 : i32
    %scan3A_61 = arith.constant 1 : i32
    %scan3A_62 = scf.for %scan3A_90 = %scan3A_58 to %scan3A_60 step %scan3A_61 iter_args(%scan3A_91 = %scan3A) -> (i32)  : i32 {
      %mul3A_92 = arith.constant 2 : i32
      %mul3A_93 = arith.muli %mul3A_92, %scan3A_90 : i32
      %add3A = arith.constant 1 : i32
      %add3A_94 = arith.addi %mul3A_93, %add3A : i32
      %dma_wait3A_95 = arith.constant 0 : i32
      %dma_wait3A_96 = arith.constant 0 : i32
      %dma_wait3A_97 = arith.constant 0 : i32
      %dma_wait3A_98 = tpu.memref_slice %arg2[%arg0, %arg1, %add3A_94, %dma_wait3A_95, %dma_wait3A_96, %dma_wait3A_97] : memref<2x16x80x2x1x128xi32, #tpu.memory_space<hbm>> -> memref<1x1x1x1x1x128xi32, #tpu.memory_space<hbm>>
      %dma_wait3A_99 = tpu.memref_squeeze %dma_wait3A_98 : memref<1x1x1x1x1x128xi32, #tpu.memory_space<hbm>> -> memref<128xi32, #tpu.memory_space<hbm>>
      %dma_wait3A_100 = arith.constant 0 : i32
      %dma_wait3A_101 = tpu.memref_slice %arg2[%arg0, %arg1, %add3A_94, %dma_wait3A_95, %dma_wait3A_96, %dma_wait3A_100] : memref<2x16x80x2x1x128xi32, #tpu.memory_space<hbm>> -> memref<1x1x1x1x1x128xi32, #tpu.memory_space<hbm>>
      %dma_wait3A_102 = tpu.memref_squeeze %dma_wait3A_101 : memref<1x1x1x1x1x128xi32, #tpu.memory_space<hbm>> -> memref<128xi32, #tpu.memory_space<hbm>>
      tpu.wait_dma2 semaphore(%arg16 : memref<!tpu.dma_semaphore, #tpu.memory_space<semaphore_mem>>) src(%dma_wait3A_102 : memref<128xi32, #tpu.memory_space<hbm>>) dst(%arg8 : memref<128xi32, #tpu.memory_space<vmem>>)
      %dma_wait3A_103 = arith.constant 1 : i32
      %dma_wait3A_104 = arith.constant 0 : i32
      %dma_wait3A_105 = arith.constant 0 : i32
      %dma_wait3A_106 = tpu.memref_slice %arg2[%arg0, %arg1, %add3A_94, %dma_wait3A_103, %dma_wait3A_104, %dma_wait3A_105] : memref<2x16x80x2x1x128xi32, #tpu.memory_space<hbm>> -> memref<1x1x1x1x1x128xi32, #tpu.memory_space<hbm>>
      %dma_wait3A_107 = tpu.memref_squeeze %dma_wait3A_106 : memref<1x1x1x1x1x128xi32, #tpu.memory_space<hbm>> -> memref<128xi32, #tpu.memory_space<hbm>>
      %dma_wait3A_108 = arith.constant 0 : i32
      %dma_wait3A_109 = tpu.memref_slice %arg2[%arg0, %arg1, %add3A_94, %dma_wait3A_103, %dma_wait3A_104, %dma_wait3A_108] : memref<2x16x80x2x1x128xi32, #tpu.memory_space<hbm>> -> memref<1x1x1x1x1x128xi32, #tpu.memory_space<hbm>>
      %dma_wait3A_110 = tpu.memref_squeeze %dma_wait3A_109 : memref<1x1x1x1x1x128xi32, #tpu.memory_space<hbm>> -> memref<128xi32, #tpu.memory_space<hbm>>
      tpu.wait_dma2 semaphore(%arg16 : memref<!tpu.dma_semaphore, #tpu.memory_space<semaphore_mem>>) src(%dma_wait3A_110 : memref<128xi32, #tpu.memory_space<hbm>>) dst(%arg9 : memref<128xi32, #tpu.memory_space<vmem>>)
      %dma_start3A_111 = arith.constant 0 : i32
      %dma_start3A_112 = arith.constant 0 : i32
      %dma_start3A_113 = tpu.memref_slice %arg3[%dma_start3A_111, %dma_start3A_112] : memref<10240x128xf32, #tpu.memory_space<hbm>> -> memref<10240x128xf32, #tpu.memory_space<hbm>>
      tpu.enqueue_indirect_dma source(%dma_start3A_113 : memref<10240x128xf32, #tpu.memory_space<hbm>>) target(%arg11 : memref<128x128xf32, #tpu.memory_space<vmem>>) offsets(%arg8 : memref<128xi32, #tpu.memory_space<vmem>>) semaphore(%arg14 : memref<!tpu.dma_semaphore, #tpu.memory_space<semaphore_mem>>)
      %dma_wait3A_114 = arith.constant 0 : i32
      %dma_wait3A_115 = arith.constant 0 : i32
      %dma_wait3A_116 = tpu.memref_slice %arg3[%dma_wait3A_114, %dma_wait3A_115] : memref<10240x128xf32, #tpu.memory_space<hbm>> -> memref<10240x128xf32, #tpu.memory_space<hbm>>
      tpu.wait_indirect_dma semaphore(%arg13 : memref<!tpu.dma_semaphore, #tpu.memory_space<semaphore_mem>>) src(%dma_wait3A_116 : memref<10240x128xf32, #tpu.memory_space<hbm>>) dst(%arg10 : memref<128x128xf32, #tpu.memory_space<vmem>>)
      %dma_start3A_117 = arith.constant 0 : i32
      %dma_start3A_118 = arith.constant 0 : i32
      %dma_start3A_119 = tpu.memref_slice %arg12[%dma_start3A_117, %dma_start3A_118] : memref<10240x128xf32, #tpu.memory_space<vmem_shared>> -> memref<10240x128xf32, #tpu.memory_space<vmem_shared>>
      tpu.enqueue_indirect_dma source(%arg10 : memref<128x128xf32, #tpu.memory_space<vmem>>) target(%dma_start3A_119 : memref<10240x128xf32, #tpu.memory_space<vmem_shared>>) offsets(%arg7 : memref<128xi32, #tpu.memory_space<vmem>>) semaphore(%arg17 : memref<!tpu.dma_semaphore, #tpu.memory_space<semaphore_mem>>) {add = true}
      %dma_wait3A_120 = arith.constant 0 : i32
      %dma_wait3A_121 = arith.constant 0 : i32
      %dma_wait3A_122 = tpu.memref_slice %arg3[%dma_wait3A_120, %dma_wait3A_121] : memref<10240x128xf32, #tpu.memory_space<hbm>> -> memref<10240x128xf32, #tpu.memory_space<hbm>>
      tpu.wait_indirect_dma semaphore(%arg14 : memref<!tpu.dma_semaphore, #tpu.memory_space<semaphore_mem>>) src(%dma_wait3A_122 : memref<10240x128xf32, #tpu.memory_space<hbm>>) dst(%arg11 : memref<128x128xf32, #tpu.memory_space<vmem>>)
      %dma_wait3A_123 = arith.constant 0 : i32
      %dma_wait3A_124 = arith.constant 0 : i32
      %dma_wait3A_125 = tpu.memref_slice %arg12[%dma_wait3A_123, %dma_wait3A_124] : memref<10240x128xf32, #tpu.memory_space<vmem_shared>> -> memref<10240x128xf32, #tpu.memory_space<vmem_shared>>
      tpu.wait_indirect_dma semaphore(%arg17 : memref<!tpu.dma_semaphore, #tpu.memory_space<semaphore_mem>>) src(%arg10 : memref<128x128xf32, #tpu.memory_space<vmem>>) dst(%dma_wait3A_125 : memref<10240x128xf32, #tpu.memory_space<vmem_shared>>)
      %dma_start3A_126 = arith.constant 0 : i32
      %dma_start3A_127 = arith.constant 0 : i32
      %dma_start3A_128 = tpu.memref_slice %arg12[%dma_start3A_126, %dma_start3A_127] : memref<10240x128xf32, #tpu.memory_space<vmem_shared>> -> memref<10240x128xf32, #tpu.memory_space<vmem_shared>>
      tpu.enqueue_indirect_dma source(%arg11 : memref<128x128xf32, #tpu.memory_space<vmem>>) target(%dma_start3A_128 : memref<10240x128xf32, #tpu.memory_space<vmem_shared>>) offsets(%arg9 : memref<128xi32, #tpu.memory_space<vmem>>) semaphore(%arg18 : memref<!tpu.dma_semaphore, #tpu.memory_space<semaphore_mem>>) {add = true}
      %add3A_129 = arith.constant 2 : i32
      %add3A_130 = arith.addi %mul3A_93, %add3A_129 : i32
      %dma_start3A_131 = arith.constant 0 : i32
      %dma_start3A_132 = arith.constant 0 : i32
      %dma_start3A_133 = arith.constant 0 : i32
      %dma_start3A_134 = tpu.memref_slice %arg2[%arg0, %arg1, %add3A_130, %dma_start3A_131, %dma_start3A_132, %dma_start3A_133] : memref<2x16x80x2x1x128xi32, #tpu.memory_space<hbm>> -> memref<1x1x1x1x1x128xi32, #tpu.memory_space<hbm>>
      %dma_start3A_135 = tpu.memref_squeeze %dma_start3A_134 : memref<1x1x1x1x1x128xi32, #tpu.memory_space<hbm>> -> memref<128xi32, #tpu.memory_space<hbm>>
      %dma_start3A_136 = arith.constant 0 : i32
      %dma_start3A_137 = tpu.memref_slice %arg2[%arg0, %arg1, %add3A_130, %dma_start3A_131, %dma_start3A_132, %dma_start3A_136] : memref<2x16x80x2x1x128xi32, #tpu.memory_space<hbm>> -> memref<1x1x1x1x1x128xi32, #tpu.memory_space<hbm>>
      %dma_start3A_138 = tpu.memref_squeeze %dma_start3A_137 : memref<1x1x1x1x1x128xi32, #tpu.memory_space<hbm>> -> memref<128xi32, #tpu.memory_space<hbm>>
      tpu.enqueue_dma source(%dma_start3A_138 : memref<128xi32, #tpu.memory_space<hbm>>) target(%arg6 : memref<128xi32, #tpu.memory_space<vmem>>) target_semaphore(%arg15 : memref<!tpu.dma_semaphore, #tpu.memory_space<semaphore_mem>>)
      %dma_start3A_139 = arith.constant 1 : i32
      %dma_start3A_140 = arith.constant 0 : i32
      %dma_start3A_141 = arith.constant 0 : i32
      %dma_start3A_142 = tpu.memref_slice %arg2[%arg0, %arg1, %add3A_130, %dma_start3A_139, %dma_start3A_140, %dma_start3A_141] : memref<2x16x80x2x1x128xi32, #tpu.memory_space<hbm>> -> memref<1x1x1x1x1x128xi32, #tpu.memory_space<hbm>>
      %dma_start3A_143 = tpu.memref_squeeze %dma_start3A_142 : memref<1x1x1x1x1x128xi32, #tpu.memory_space<hbm>> -> memref<128xi32, #tpu.memory_space<hbm>>
      %dma_start3A_144 = arith.constant 0 : i32
      %dma_start3A_145 = tpu.memref_slice %arg2[%arg0, %arg1, %add3A_130, %dma_start3A_139, %dma_start3A_140, %dma_start3A_144] : memref<2x16x80x2x1x128xi32, #tpu.memory_space<hbm>> -> memref<1x1x1x1x1x128xi32, #tpu.memory_space<hbm>>
      %dma_start3A_146 = tpu.memref_squeeze %dma_start3A_145 : memref<1x1x1x1x1x128xi32, #tpu.memory_space<hbm>> -> memref<128xi32, #tpu.memory_space<hbm>>
      tpu.enqueue_dma source(%dma_start3A_146 : memref<128xi32, #tpu.memory_space<hbm>>) target(%arg7 : memref<128xi32, #tpu.memory_space<vmem>>) target_semaphore(%arg15 : memref<!tpu.dma_semaphore, #tpu.memory_space<semaphore_mem>>)
      %add3A_147 = arith.constant 2 : i32
      %add3A_148 = arith.addi %mul3A_93, %add3A_147 : i32
      %dma_wait3A_149 = arith.constant 0 : i32
      %dma_wait3A_150 = arith.constant 0 : i32
      %dma_wait3A_151 = arith.constant 0 : i32
      %dma_wait3A_152 = tpu.memref_slice %arg2[%arg0, %arg1, %add3A_148, %dma_wait3A_149, %dma_wait3A_150, %dma_wait3A_151] : memref<2x16x80x2x1x128xi32, #tpu.memory_space<hbm>> -> memref<1x1x1x1x1x128xi32, #tpu.memory_space<hbm>>
      %dma_wait3A_153 = tpu.memref_squeeze %dma_wait3A_152 : memref<1x1x1x1x1x128xi32, #tpu.memory_space<hbm>> -> memref<128xi32, #tpu.memory_space<hbm>>
      %dma_wait3A_154 = arith.constant 0 : i32
      %dma_wait3A_155 = tpu.memref_slice %arg2[%arg0, %arg1, %add3A_148, %dma_wait3A_149, %dma_wait3A_150, %dma_wait3A_154] : memref<2x16x80x2x1x128xi32, #tpu.memory_space<hbm>> -> memref<1x1x1x1x1x128xi32, #tpu.memory_space<hbm>>
      %dma_wait3A_156 = tpu.memref_squeeze %dma_wait3A_155 : memref<1x1x1x1x1x128xi32, #tpu.memory_space<hbm>> -> memref<128xi32, #tpu.memory_space<hbm>>
      tpu.wait_dma2 semaphore(%arg15 : memref<!tpu.dma_semaphore, #tpu.memory_space<semaphore_mem>>) src(%dma_wait3A_156 : memref<128xi32, #tpu.memory_space<hbm>>) dst(%arg6 : memref<128xi32, #tpu.memory_space<vmem>>)
      %dma_wait3A_157 = arith.constant 1 : i32
      %dma_wait3A_158 = arith.constant 0 : i32
      %dma_wait3A_159 = arith.constant 0 : i32
      %dma_wait3A_160 = tpu.memref_slice %arg2[%arg0, %arg1, %add3A_148, %dma_wait3A_157, %dma_wait3A_158, %dma_wait3A_159] : memref<2x16x80x2x1x128xi32, #tpu.memory_space<hbm>> -> memref<1x1x1x1x1x128xi32, #tpu.memory_space<hbm>>
      %dma_wait3A_161 = tpu.memref_squeeze %dma_wait3A_160 : memref<1x1x1x1x1x128xi32, #tpu.memory_space<hbm>> -> memref<128xi32, #tpu.memory_space<hbm>>
      %dma_wait3A_162 = arith.constant 0 : i32
      %dma_wait3A_163 = tpu.memref_slice %arg2[%arg0, %arg1, %add3A_148, %dma_wait3A_157, %dma_wait3A_158, %dma_wait3A_162] : memref<2x16x80x2x1x128xi32, #tpu.memory_space<hbm>> -> memref<1x1x1x1x1x128xi32, #tpu.memory_space<hbm>>
      %dma_wait3A_164 = tpu.memref_squeeze %dma_wait3A_163 : memref<1x1x1x1x1x128xi32, #tpu.memory_space<hbm>> -> memref<128xi32, #tpu.memory_space<hbm>>
      tpu.wait_dma2 semaphore(%arg15 : memref<!tpu.dma_semaphore, #tpu.memory_space<semaphore_mem>>) src(%dma_wait3A_164 : memref<128xi32, #tpu.memory_space<hbm>>) dst(%arg7 : memref<128xi32, #tpu.memory_space<vmem>>)
      %dma_start3A_165 = arith.constant 0 : i32
      %dma_start3A_166 = arith.constant 0 : i32
      %dma_start3A_167 = tpu.memref_slice %arg3[%dma_start3A_165, %dma_start3A_166] : memref<10240x128xf32, #tpu.memory_space<hbm>> -> memref<10240x128xf32, #tpu.memory_space<hbm>>
      tpu.enqueue_indirect_dma source(%dma_start3A_167 : memref<10240x128xf32, #tpu.memory_space<hbm>>) target(%arg10 : memref<128x128xf32, #tpu.memory_space<vmem>>) offsets(%arg6 : memref<128xi32, #tpu.memory_space<vmem>>) semaphore(%arg13 : memref<!tpu.dma_semaphore, #tpu.memory_space<semaphore_mem>>)
      %dma_wait3A_168 = arith.constant 0 : i32
      %dma_wait3A_169 = arith.constant 0 : i32
      %dma_wait3A_170 = tpu.memref_slice %arg12[%dma_wait3A_168, %dma_wait3A_169] : memref<10240x128xf32, #tpu.memory_space<vmem_shared>> -> memref<10240x128xf32, #tpu.memory_space<vmem_shared>>
      tpu.wait_indirect_dma semaphore(%arg18 : memref<!tpu.dma_semaphore, #tpu.memory_space<semaphore_mem>>) src(%arg11 : memref<128x128xf32, #tpu.memory_space<vmem>>) dst(%dma_wait3A_170 : memref<10240x128xf32, #tpu.memory_space<vmem_shared>>)
      %add3A_171 = arith.constant 3 : i32
      %add3A_172 = arith.addi %mul3A_93, %add3A_171 : i32
      %dma_start3A_173 = arith.constant 0 : i32
      %dma_start3A_174 = arith.constant 0 : i32
      %dma_start3A_175 = arith.constant 0 : i32
      %dma_start3A_176 = tpu.memref_slice %arg2[%arg0, %arg1, %add3A_172, %dma_start3A_173, %dma_start3A_174, %dma_start3A_175] : memref<2x16x80x2x1x128xi32, #tpu.memory_space<hbm>> -> memref<1x1x1x1x1x128xi32, #tpu.memory_space<hbm>>
      %dma_start3A_177 = tpu.memref_squeeze %dma_start3A_176 : memref<1x1x1x1x1x128xi32, #tpu.memory_space<hbm>> -> memref<128xi32, #tpu.memory_space<hbm>>
      %dma_start3A_178 = arith.constant 0 : i32
      %dma_start3A_179 = tpu.memref_slice %arg2[%arg0, %arg1, %add3A_172, %dma_start3A_173, %dma_start3A_174, %dma_start3A_178] : memref<2x16x80x2x1x128xi32, #tpu.memory_space<hbm>> -> memref<1x1x1x1x1x128xi32, #tpu.memory_space<hbm>>
      %dma_start3A_180 = tpu.memref_squeeze %dma_start3A_179 : memref<1x1x1x1x1x128xi32, #tpu.memory_space<hbm>> -> memref<128xi32, #tpu.memory_space<hbm>>
      tpu.enqueue_dma source(%dma_start3A_180 : memref<128xi32, #tpu.memory_space<hbm>>) target(%arg8 : memref<128xi32, #tpu.memory_space<vmem>>) target_semaphore(%arg16 : memref<!tpu.dma_semaphore, #tpu.memory_space<semaphore_mem>>)
      %dma_start3A_181 = arith.constant 1 : i32
      %dma_start3A_182 = arith.constant 0 : i32
      %dma_start3A_183 = arith.constant 0 : i32
      %dma_start3A_184 = tpu.memref_slice %arg2[%arg0, %arg1, %add3A_172, %dma_start3A_181, %dma_start3A_182, %dma_start3A_183] : memref<2x16x80x2x1x128xi32, #tpu.memory_space<hbm>> -> memref<1x1x1x1x1x128xi32, #tpu.memory_space<hbm>>
      %dma_start3A_185 = tpu.memref_squeeze %dma_start3A_184 : memref<1x1x1x1x1x128xi32, #tpu.memory_space<hbm>> -> memref<128xi32, #tpu.memory_space<hbm>>
      %dma_start3A_186 = arith.constant 0 : i32
      %dma_start3A_187 = tpu.memref_slice %arg2[%arg0, %arg1, %add3A_172, %dma_start3A_181, %dma_start3A_182, %dma_start3A_186] : memref<2x16x80x2x1x128xi32, #tpu.memory_space<hbm>> -> memref<1x1x1x1x1x128xi32, #tpu.memory_space<hbm>>
      %dma_start3A_188 = tpu.memref_squeeze %dma_start3A_187 : memref<1x1x1x1x1x128xi32, #tpu.memory_space<hbm>> -> memref<128xi32, #tpu.memory_space<hbm>>
      tpu.enqueue_dma source(%dma_start3A_188 : memref<128xi32, #tpu.memory_space<hbm>>) target(%arg9 : memref<128xi32, #tpu.memory_space<vmem>>) target_semaphore(%arg16 : memref<!tpu.dma_semaphore, #tpu.memory_space<semaphore_mem>>)
      %scan3A_189 = arith.constant 0 : i32
      scf.yield %scan3A_189 : i32
    }
    %scan3A_63 = arith.constant 39 : i32
    %dma_wait3A_64 = arith.constant 79 : i32
    %dma_wait3A_65 = arith.constant 0 : i32
    %dma_wait3A_66 = arith.constant 0 : i32
    %dma_wait3A_67 = arith.constant 0 : i32
    %dma_wait3A_68 = tpu.memref_slice %arg2[%arg0, %arg1, %dma_wait3A_64, %dma_wait3A_65, %dma_wait3A_66, %dma_wait3A_67] : memref<2x16x80x2x1x128xi32, #tpu.memory_space<hbm>> -> memref<1x1x1x1x1x128xi32, #tpu.memory_space<hbm>>
    %dma_wait3A_69 = tpu.memref_squeeze %dma_wait3A_68 : memref<1x1x1x1x1x128xi32, #tpu.memory_space<hbm>> -> memref<128xi32, #tpu.memory_space<hbm>>
    %dma_wait3A_70 = arith.constant 0 : i32
    %dma_wait3A_71 = tpu.memref_slice %arg2[%arg0, %arg1, %dma_wait3A_64, %dma_wait3A_65, %dma_wait3A_66, %dma_wait3A_70] : memref<2x16x80x2x1x128xi32, #tpu.memory_space<hbm>> -> memref<1x1x1x1x1x128xi32, #tpu.memory_space<hbm>>
    %dma_wait3A_72 = tpu.memref_squeeze %dma_wait3A_71 : memref<1x1x1x1x1x128xi32, #tpu.memory_space<hbm>> -> memref<128xi32, #tpu.memory_space<hbm>>
    tpu.wait_dma2 semaphore(%arg16 : memref<!tpu.dma_semaphore, #tpu.memory_space<semaphore_mem>>) src(%dma_wait3A_72 : memref<128xi32, #tpu.memory_space<hbm>>) dst(%arg8 : memref<128xi32, #tpu.memory_space<vmem>>)
    %dma_wait3A_73 = arith.constant 79 : i32
    %dma_wait3A_74 = arith.constant 1 : i32
    %dma_wait3A_75 = arith.constant 0 : i32
    %dma_wait3A_76 = arith.constant 0 : i32
    %dma_wait3A_77 = tpu.memref_slice %arg2[%arg0, %arg1, %dma_wait3A_73, %dma_wait3A_74, %dma_wait3A_75, %dma_wait3A_76] : memref<2x16x80x2x1x128xi32, #tpu.memory_space<hbm>> -> memref<1x1x1x1x1x128xi32, #tpu.memory_space<hbm>>
    %dma_wait3A_78 = tpu.memref_squeeze %dma_wait3A_77 : memref<1x1x1x1x1x128xi32, #tpu.memory_space<hbm>> -> memref<128xi32, #tpu.memory_space<hbm>>
    %dma_wait3A_79 = arith.constant 0 : i32
    %dma_wait3A_80 = tpu.memref_slice %arg2[%arg0, %arg1, %dma_wait3A_73, %dma_wait3A_74, %dma_wait3A_75, %dma_wait3A_79] : memref<2x16x80x2x1x128xi32, #tpu.memory_space<hbm>> -> memref<1x1x1x1x1x128xi32, #tpu.memory_space<hbm>>
    %dma_wait3A_81 = tpu.memref_squeeze %dma_wait3A_80 : memref<1x1x1x1x1x128xi32, #tpu.memory_space<hbm>> -> memref<128xi32, #tpu.memory_space<hbm>>
    tpu.wait_dma2 semaphore(%arg16 : memref<!tpu.dma_semaphore, #tpu.memory_space<semaphore_mem>>) src(%dma_wait3A_81 : memref<128xi32, #tpu.memory_space<hbm>>) dst(%arg9 : memref<128xi32, #tpu.memory_space<vmem>>)
    %dma_wait3A_82 = arith.constant 0 : i32
    %dma_wait3A_83 = arith.constant 0 : i32
    %dma_wait3A_84 = tpu.memref_slice %arg3[%dma_wait3A_82, %dma_wait3A_83] : memref<10240x128xf32, #tpu.memory_space<hbm>> -> memref<10240x128xf32, #tpu.memory_space<hbm>>
    tpu.wait_indirect_dma semaphore(%arg13 : memref<!tpu.dma_semaphore, #tpu.memory_space<semaphore_mem>>) src(%dma_wait3A_84 : memref<10240x128xf32, #tpu.memory_space<hbm>>) dst(%arg10 : memref<128x128xf32, #tpu.memory_space<vmem>>)
    "tpu.region"() ({
      %run_scoped3A = tpu.sem_alloc : memref<!tpu.dma_semaphore, #tpu.memory_space<semaphore_mem>>
      %dma_start3A_90 = arith.constant 0 : i32
      %dma_start3A_91 = arith.constant 0 : i32
      %dma_start3A_92 = tpu.memref_slice %arg12[%dma_start3A_90, %dma_start3A_91] : memref<10240x128xf32, #tpu.memory_space<vmem_shared>> -> memref<10240x128xf32, #tpu.memory_space<vmem_shared>>
      tpu.enqueue_indirect_dma source(%arg10 : memref<128x128xf32, #tpu.memory_space<vmem>>) target(%dma_start3A_92 : memref<10240x128xf32, #tpu.memory_space<vmem_shared>>) offsets(%arg7 : memref<128xi32, #tpu.memory_space<vmem>>) semaphore(%run_scoped3A : memref<!tpu.dma_semaphore, #tpu.memory_space<semaphore_mem>>) {add = true}
      %dma_wait3A_93 = arith.constant 0 : i32
      %dma_wait3A_94 = arith.constant 0 : i32
      %dma_wait3A_95 = tpu.memref_slice %arg12[%dma_wait3A_93, %dma_wait3A_94] : memref<10240x128xf32, #tpu.memory_space<vmem_shared>> -> memref<10240x128xf32, #tpu.memory_space<vmem_shared>>
      tpu.wait_indirect_dma semaphore(%run_scoped3A : memref<!tpu.dma_semaphore, #tpu.memory_space<semaphore_mem>>) src(%arg10 : memref<128x128xf32, #tpu.memory_space<vmem>>) dst(%dma_wait3A_95 : memref<10240x128xf32, #tpu.memory_space<vmem_shared>>)
      tpu.yield
    }) : () -> ()
    %barrier3A_85 = arith.constant 0 : index
    tpu.barrier barrier_id(%barrier3A_85)
    %mul3A_86 = arith.constant 640 : i32
    %mul3A_87 = arith.muli %arg1, %mul3A_86 : i32
    %mul3A_88 = arith.constant 640 : i32
    %mul3A_89 = arith.muli %arg1, %mul3A_88 : i32
    "tpu.region"() ({
      %run_scoped3A = tpu.sem_alloc : memref<!tpu.dma_semaphore, #tpu.memory_space<semaphore_mem>>
      %dma_start3A_90 = arith.constant 0 : i32
      %dma_start3A_91 = tpu.memref_slice %arg5[%arg0, %mul3A_89, %dma_start3A_90] : memref<2x10240x128xf32, #tpu.memory_space<hbm>> -> memref<1x640x128xf32, #tpu.memory_space<hbm>>
      %dma_start3A_92 = tpu.memref_squeeze %dma_start3A_91 : memref<1x640x128xf32, #tpu.memory_space<hbm>> -> memref<640x128xf32, #tpu.memory_space<hbm>>
      %dma_start3A_93 = arith.constant 0 : i32
      %dma_start3A_94 = tpu.memref_slice %arg12[%mul3A_87, %dma_start3A_93] : memref<10240x128xf32, #tpu.memory_space<vmem_shared>> -> memref<640x128xf32, #tpu.memory_space<vmem_shared>>
      tpu.enqueue_dma source(%dma_start3A_94 : memref<640x128xf32, #tpu.memory_space<vmem_shared>>) target(%dma_start3A_92 : memref<640x128xf32, #tpu.memory_space<hbm>>) target_semaphore(%run_scoped3A : memref<!tpu.dma_semaphore, #tpu.memory_space<semaphore_mem>>)
      %dma_wait3A_95 = arith.constant 0 : i32
      %dma_wait3A_96 = tpu.memref_slice %arg5[%arg0, %mul3A_89, %dma_wait3A_95] : memref<2x10240x128xf32, #tpu.memory_space<hbm>> -> memref<1x640x128xf32, #tpu.memory_space<hbm>>
      %dma_wait3A_97 = tpu.memref_squeeze %dma_wait3A_96 : memref<1x640x128xf32, #tpu.memory_space<hbm>> -> memref<640x128xf32, #tpu.memory_space<hbm>>
      %dma_wait3A_98 = arith.constant 0 : i32
      %dma_wait3A_99 = tpu.memref_slice %arg12[%mul3A_87, %dma_wait3A_98] : memref<10240x128xf32, #tpu.memory_space<vmem_shared>> -> memref<640x128xf32, #tpu.memory_space<vmem_shared>>
      tpu.wait_dma2 semaphore(%run_scoped3A : memref<!tpu.dma_semaphore, #tpu.memory_space<semaphore_mem>>) src(%dma_wait3A_99 : memref<640x128xf32, #tpu.memory_space<vmem_shared>>) dst(%dma_wait3A_97 : memref<640x128xf32, #tpu.memory_space<hbm>>)
      tpu.yield
    }) : () -> ()
    return
  }
}

module attributes {stable_mosaic.version = 14 : i64} {
  func.func @_dis_y_body(%arg0: i32, %arg1: memref<2x1024x128xf32, #tpu.memory_space<vmem>>, %arg2: memref<1024x128xf32, #tpu.memory_space<vmem>>, %arg3: memref<128x128xf32, #tpu.memory_space<vmem>>, %arg4: memref<1024x1xf32, #tpu.memory_space<vmem>>, %arg5: memref<1024x128xf32, #tpu.memory_space<vmem>>) attributes {dimension_semantics = [#tpu.dimension_semantics<arbitrary>], iteration_bounds = array<i64: 10>, scalar_prefetch = 0 : i64, scratch_operands = 0 : i64, tpu.core_type = #tpu.core_type<tc>, window_params = [{transform_indices = @transform_0, window_bounds = array<i64: 2, 1024, 128>}, {transform_indices = @transform_1, window_bounds = array<i64: 1024, 128>}, {pipeline_mode = #tpu.pipeline_mode<synchronous>, transform_indices = @transform_2, window_bounds = array<i64: 128, 128>}, {transform_indices = @transform_3, window_bounds = array<i64: 1024, 1>}, {transform_indices = @transform_4, window_bounds = array<i64: 1024, 128>}]} {
    %get3A = arith.constant 0 : index
    %get3A_0 = arith.constant 0 : index
    %get3A_1 = arith.constant 0 : index
    %get3A_2 = vector.load %arg1[%get3A, %get3A_0, %get3A_1] : memref<2x1024x128xf32, #tpu.memory_space<vmem>>, vector<1x1024x1xf32>
    %get3A_3 = vector.shape_cast %get3A_2 : vector<1x1024x1xf32> to vector<1024x1xf32>
    %get3A_4 = arith.constant 1 : index
    %get3A_5 = arith.constant 0 : index
    %get3A_6 = arith.constant 0 : index
    %get3A_7 = vector.load %arg1[%get3A_4, %get3A_5, %get3A_6] : memref<2x1024x128xf32, #tpu.memory_space<vmem>>, vector<1x1024x1xf32>
    %get3A_8 = vector.shape_cast %get3A_7 : vector<1x1024x1xf32> to vector<1024x1xf32>
    %add3A = arith.addf %get3A_3, %get3A_8 : vector<1024x1xf32>
    %add3A_9 = arith.constant 1.000000e+00 : f32
    %add3A_10 = vector.broadcast %add3A_9 : f32 to vector<1024x1xf32>
    %add3A_11 = arith.addf %add3A, %add3A_10 : vector<1024x1xf32>
    %rsqrt3A = math.rsqrt %add3A_11 : vector<1024x1xf32>
    %swap3A = arith.constant 0 : index
    %swap3A_12 = arith.constant 0 : index
    %swap3A_13 = vector.load %arg4[%swap3A, %swap3A_12] : memref<1024x1xf32, #tpu.memory_space<vmem>>, vector<1024x1xf32>
    tpu.vector_store %arg4[%swap3A, %swap3A_12], %rsqrt3A {strides = array<i32>} : memref<1024x1xf32, #tpu.memory_space<vmem>>, vector<1024x1xf32>,
    %get3A_14 = arith.constant 0 : index
    %get3A_15 = arith.constant 0 : index
    %get3A_16 = vector.load %arg2[%get3A_14, %get3A_15] : memref<1024x128xf32, #tpu.memory_space<vmem>>, vector<1024x128xf32>
    %get3A_17 = arith.constant 0 : index
    %get3A_18 = arith.constant 0 : index
    %get3A_19 = vector.load %arg3[%get3A_17, %get3A_18] : memref<128x128xf32, #tpu.memory_space<vmem>>, vector<128x128xf32>
    %dot_general3A = arith.constant dense<0.000000e+00> : vector<1024x128xf32>
    %dot_general3A_20 = tpu.matmul %get3A_16, %get3A_19, %dot_general3A {dimension_numbers = #tpu.dot_dimension_numbers<[1], [0], [0], [1], [0, 0, 1, 1], [], []>, transpose_lhs_hint = false} : vector<1024x128xf32>, vector<128x128xf32>, vector<1024x128xf32> -> vector<1024x128xf32>
    %mul3A = vector.broadcast %rsqrt3A : vector<1024x1xf32> to vector<1024x128xf32>
    %mul3A_21 = arith.mulf %dot_general3A_20, %mul3A : vector<1024x128xf32>
    %swap3A_22 = arith.constant 0 : index
    %swap3A_23 = arith.constant 0 : index
    %swap3A_24 = vector.load %arg5[%swap3A_22, %swap3A_23] : memref<1024x128xf32, #tpu.memory_space<vmem>>, vector<1024x128xf32>
    tpu.vector_store %arg5[%swap3A_22, %swap3A_23], %mul3A_21 {strides = array<i32>} : memref<1024x128xf32, #tpu.memory_space<vmem>>, vector<1024x128xf32>,
    return
  }
  func.func @transform_0(%arg0: i32) -> (i32, i32, i32) {
    %c0_i32 = arith.constant 0 : i32
    %c0_i32_0 = arith.constant 0 : i32
    %c0_i32_1 = arith.constant 0 : i32
    return %c0_i32, %arg0, %c0_i32_0 : i32, i32, i32
  }
  func.func @transform_1(%arg0: i32) -> (i32, i32) {
    %c0_i32 = arith.constant 0 : i32
    %c0_i32_0 = arith.constant 0 : i32
    return %arg0, %c0_i32 : i32, i32
  }
  func.func @transform_2(%arg0: i32) -> (i32, i32) {
    %c0_i32 = arith.constant 0 : i32
    %c0_i32_0 = arith.constant 0 : i32
    %c0_i32_1 = arith.constant 0 : i32
    return %c0_i32, %c0_i32_0 : i32, i32
  }
  func.func @transform_3(%arg0: i32) -> (i32, i32) {
    %c0_i32 = arith.constant 0 : i32
    %c0_i32_0 = arith.constant 0 : i32
    return %arg0, %c0_i32 : i32, i32
  }
  func.func @transform_4(%arg0: i32) -> (i32, i32) {
    %c0_i32 = arith.constant 0 : i32
    %c0_i32_0 = arith.constant 0 : i32
    return %arg0, %c0_i32 : i32, i32
  }
}

module attributes {stable_mosaic.version = 14 : i64} {
  func.func @_mid_body(%arg0: i32, %arg1: memref<2x1024x128xf32, #tpu.memory_space<vmem>>, %arg2: memref<1024x128xf32, #tpu.memory_space<vmem>>, %arg3: memref<1024x1xf32, #tpu.memory_space<vmem>>, %arg4: memref<1x128xf32, #tpu.memory_space<vmem>>, %arg5: memref<128x128xf32, #tpu.memory_space<vmem>>, %arg6: memref<1024x128xf32, #tpu.memory_space<vmem>>) attributes {dimension_semantics = [#tpu.dimension_semantics<arbitrary>], iteration_bounds = array<i64: 10>, scalar_prefetch = 0 : i64, scratch_operands = 0 : i64, tpu.core_type = #tpu.core_type<tc>, window_params = [{transform_indices = @transform_0, window_bounds = array<i64: 2, 1024, 128>}, {transform_indices = @transform_1, window_bounds = array<i64: 1024, 128>}, {transform_indices = @transform_2, window_bounds = array<i64: 1024, 1>}, {pipeline_mode = #tpu.pipeline_mode<synchronous>, transform_indices = @transform_3, window_bounds = array<i64: 1, 128>}, {pipeline_mode = #tpu.pipeline_mode<synchronous>, transform_indices = @transform_4, window_bounds = array<i64: 128, 128>}, {transform_indices = @transform_5, window_bounds = array<i64: 1024, 128>}]} {
    %get3A = arith.constant 0 : index
    %get3A_0 = arith.constant 0 : index
    %get3A_1 = arith.constant 0 : index
    %get3A_2 = vector.load %arg1[%get3A, %get3A_0, %get3A_1] : memref<2x1024x128xf32, #tpu.memory_space<vmem>>, vector<1x1024x128xf32>
    %get3A_3 = vector.shape_cast %get3A_2 : vector<1x1024x128xf32> to vector<1024x128xf32>
    %get3A_4 = arith.constant 1 : index
    %get3A_5 = arith.constant 0 : index
    %get3A_6 = arith.constant 0 : index
    %get3A_7 = vector.load %arg1[%get3A_4, %get3A_5, %get3A_6] : memref<2x1024x128xf32, #tpu.memory_space<vmem>>, vector<1x1024x128xf32>
    %get3A_8 = vector.shape_cast %get3A_7 : vector<1x1024x128xf32> to vector<1024x128xf32>
    %add3A = arith.addf %get3A_3, %get3A_8 : vector<1024x128xf32>
    %get3A_9 = arith.constant 0 : index
    %get3A_10 = arith.constant 0 : index
    %get3A_11 = vector.load %arg2[%get3A_9, %get3A_10] : memref<1024x128xf32, #tpu.memory_space<vmem>>, vector<1024x128xf32>
    %add3A_12 = arith.addf %add3A, %get3A_11 : vector<1024x128xf32>
    %get3A_13 = arith.constant 0 : index
    %get3A_14 = arith.constant 0 : index
    %get3A_15 = vector.load %arg3[%get3A_13, %get3A_14] : memref<1024x1xf32, #tpu.memory_space<vmem>>, vector<1024x1xf32>
    %mul3A = vector.broadcast %get3A_15 : vector<1024x1xf32> to vector<1024x128xf32>
    %mul3A_16 = arith.mulf %mul3A, %add3A_12 : vector<1024x128xf32>
    %get3A_17 = arith.constant 0 : index
    %get3A_18 = arith.constant 0 : index
    %get3A_19 = vector.load %arg4[%get3A_17, %get3A_18] : memref<1x128xf32, #tpu.memory_space<vmem>>, vector<1x128xf32>
    %add3A_20 = vector.broadcast %get3A_19 : vector<1x128xf32> to vector<1024x128xf32>
    %add3A_21 = arith.addf %mul3A_16, %add3A_20 : vector<1024x128xf32>
    %max3A = arith.constant 0.000000e+00 : f32
    %max3A_22 = vector.broadcast %max3A : f32 to vector<1024x128xf32>
    %max3A_23 = arith.maximumf %add3A_21, %max3A_22 : vector<1024x128xf32>
    %get3A_24 = arith.constant 0 : index
    %get3A_25 = arith.constant 0 : index
    %get3A_26 = vector.load %arg5[%get3A_24, %get3A_25] : memref<128x128xf32, #tpu.memory_space<vmem>>, vector<128x128xf32>
    %dot_general3A = arith.constant dense<0.000000e+00> : vector<1024x128xf32>
    %dot_general3A_27 = tpu.matmul %max3A_23, %get3A_26, %dot_general3A {dimension_numbers = #tpu.dot_dimension_numbers<[1], [0], [0], [1], [0, 0, 1, 1], [], []>, transpose_lhs_hint = false} : vector<1024x128xf32>, vector<128x128xf32>, vector<1024x128xf32> -> vector<1024x128xf32>
    %get3A_28 = arith.constant 0 : index
    %get3A_29 = arith.constant 0 : index
    %get3A_30 = vector.load %arg3[%get3A_28, %get3A_29] : memref<1024x1xf32, #tpu.memory_space<vmem>>, vector<1024x1xf32>
    %mul3A_31 = vector.broadcast %get3A_30 : vector<1024x1xf32> to vector<1024x128xf32>
    %mul3A_32 = arith.mulf %dot_general3A_27, %mul3A_31 : vector<1024x128xf32>
    %swap3A = arith.constant 0 : index
    %swap3A_33 = arith.constant 0 : index
    %swap3A_34 = vector.load %arg6[%swap3A, %swap3A_33] : memref<1024x128xf32, #tpu.memory_space<vmem>>, vector<1024x128xf32>
    tpu.vector_store %arg6[%swap3A, %swap3A_33], %mul3A_32 {strides = array<i32>} : memref<1024x128xf32, #tpu.memory_space<vmem>>, vector<1024x128xf32>,
    return
  }
  func.func @transform_0(%arg0: i32) -> (i32, i32, i32) {
    %c0_i32 = arith.constant 0 : i32
    %c0_i32_0 = arith.constant 0 : i32
    %c0_i32_1 = arith.constant 0 : i32
    return %c0_i32, %arg0, %c0_i32_0 : i32, i32, i32
  }
  func.func @transform_1(%arg0: i32) -> (i32, i32) {
    %c0_i32 = arith.constant 0 : i32
    %c0_i32_0 = arith.constant 0 : i32
    return %arg0, %c0_i32 : i32, i32
  }
  func.func @transform_2(%arg0: i32) -> (i32, i32) {
    %c0_i32 = arith.constant 0 : i32
    %c0_i32_0 = arith.constant 0 : i32
    return %arg0, %c0_i32 : i32, i32
  }
  func.func @transform_3(%arg0: i32) -> (i32, i32) {
    %c0_i32 = arith.constant 0 : i32
    %c0_i32_0 = arith.constant 0 : i32
    %c0_i32_1 = arith.constant 0 : i32
    return %c0_i32, %c0_i32_0 : i32, i32
  }
  func.func @transform_4(%arg0: i32) -> (i32, i32) {
    %c0_i32 = arith.constant 0 : i32
    %c0_i32_0 = arith.constant 0 : i32
    %c0_i32_1 = arith.constant 0 : i32
    return %c0_i32, %c0_i32_0 : i32, i32
  }
  func.func @transform_5(%arg0: i32) -> (i32, i32) {
    %c0_i32 = arith.constant 0 : i32
    %c0_i32_0 = arith.constant 0 : i32
    return %arg0, %c0_i32 : i32, i32
  }
}

module attributes {stable_mosaic.version = 14 : i64} {
  func.func @_final_body(%arg0: i32, %arg1: memref<2x1024x128xf32, #tpu.memory_space<vmem>>, %arg2: memref<1024x128xf32, #tpu.memory_space<vmem>>, %arg3: memref<1024x1xf32, #tpu.memory_space<vmem>>, %arg4: memref<1x128xf32, #tpu.memory_space<vmem>>, %arg5: memref<1024x128xf32, #tpu.memory_space<vmem>>) attributes {dimension_semantics = [#tpu.dimension_semantics<arbitrary>], iteration_bounds = array<i64: 10>, scalar_prefetch = 0 : i64, scratch_operands = 0 : i64, tpu.core_type = #tpu.core_type<tc>, window_params = [{transform_indices = @transform_0, window_bounds = array<i64: 2, 1024, 128>}, {transform_indices = @transform_1, window_bounds = array<i64: 1024, 128>}, {transform_indices = @transform_2, window_bounds = array<i64: 1024, 1>}, {pipeline_mode = #tpu.pipeline_mode<synchronous>, transform_indices = @transform_3, window_bounds = array<i64: 1, 128>}, {transform_indices = @transform_4, window_bounds = array<i64: 1024, 128>}]} {
    %get3A = arith.constant 0 : index
    %get3A_0 = arith.constant 0 : index
    %get3A_1 = vector.load %arg3[%get3A, %get3A_0] : memref<1024x1xf32, #tpu.memory_space<vmem>>, vector<1024x1xf32>
    %get3A_2 = arith.constant 0 : index
    %get3A_3 = arith.constant 0 : index
    %get3A_4 = arith.constant 0 : index
    %get3A_5 = vector.load %arg1[%get3A_2, %get3A_3, %get3A_4] : memref<2x1024x128xf32, #tpu.memory_space<vmem>>, vector<1x1024x128xf32>
    %get3A_6 = vector.shape_cast %get3A_5 : vector<1x1024x128xf32> to vector<1024x128xf32>
    %get3A_7 = arith.constant 1 : index
    %get3A_8 = arith.constant 0 : index
    %get3A_9 = arith.constant 0 : index
    %get3A_10 = vector.load %arg1[%get3A_7, %get3A_8, %get3A_9] : memref<2x1024x128xf32, #tpu.memory_space<vmem>>, vector<1x1024x128xf32>
    %get3A_11 = vector.shape_cast %get3A_10 : vector<1x1024x128xf32> to vector<1024x128xf32>
    %add3A = arith.addf %get3A_6, %get3A_11 : vector<1024x128xf32>
    %get3A_12 = arith.constant 0 : index
    %get3A_13 = arith.constant 0 : index
    %get3A_14 = vector.load %arg2[%get3A_12, %get3A_13] : memref<1024x128xf32, #tpu.memory_space<vmem>>, vector<1024x128xf32>
    %add3A_15 = arith.addf %add3A, %get3A_14 : vector<1024x128xf32>
    %mul3A = vector.broadcast %get3A_1 : vector<1024x1xf32> to vector<1024x128xf32>
    %mul3A_16 = arith.mulf %mul3A, %add3A_15 : vector<1024x128xf32>
    %get3A_17 = arith.constant 0 : index
    %get3A_18 = arith.constant 0 : index
    %get3A_19 = vector.load %arg4[%get3A_17, %get3A_18] : memref<1x128xf32, #tpu.memory_space<vmem>>, vector<1x128xf32>
    %add3A_20 = vector.broadcast %get3A_19 : vector<1x128xf32> to vector<1024x128xf32>
    %add3A_21 = arith.addf %mul3A_16, %add3A_20 : vector<1024x128xf32>
    %swap3A = arith.constant 0 : index
    %swap3A_22 = arith.constant 0 : index
    %swap3A_23 = vector.load %arg5[%swap3A, %swap3A_22] : memref<1024x128xf32, #tpu.memory_space<vmem>>, vector<1024x128xf32>
    tpu.vector_store %arg5[%swap3A, %swap3A_22], %add3A_21 {strides = array<i32>} : memref<1024x128xf32, #tpu.memory_space<vmem>>, vector<1024x128xf32>,
    return
  }
  func.func @transform_0(%arg0: i32) -> (i32, i32, i32) {
    %c0_i32 = arith.constant 0 : i32
    %c0_i32_0 = arith.constant 0 : i32
    %c0_i32_1 = arith.constant 0 : i32
    return %c0_i32, %arg0, %c0_i32_0 : i32, i32, i32
  }
  func.func @transform_1(%arg0: i32) -> (i32, i32) {
    %c0_i32 = arith.constant 0 : i32
    %c0_i32_0 = arith.constant 0 : i32
    return %arg0, %c0_i32 : i32, i32
  }
  func.func @transform_2(%arg0: i32) -> (i32, i32) {
    %c0_i32 = arith.constant 0 : i32
    %c0_i32_0 = arith.constant 0 : i32
    return %arg0, %c0_i32 : i32, i32
  }
  func.func @transform_3(%arg0: i32) -> (i32, i32) {
    %c0_i32 = arith.constant 0 : i32
    %c0_i32_0 = arith.constant 0 : i32
    %c0_i32_1 = arith.constant 0 : i32
    return %c0_i32, %c0_i32_0 : i32, i32
  }
  func.func @transform_4(%arg0: i32) -> (i32, i32) {
    %c0_i32 = arith.constant 0 : i32
    %c0_i32_0 = arith.constant 0 : i32
    return %arg0, %c0_i32 : i32, i32
  }
}

</mosaic_0001>

<sc_bundles>
// kernel: kernel.11.cloned.1.call-start
scs
__scs_entry_jumppad:
0x0: {  	(pc) =	sbr.rel $0x88, $3  }
0x1: {  	(tag) =	ssettag $0x0;
	lr =	simm.s32 $0x1  }
0x2: {  	[smem:$0x3F9B] =	sst lr;
	_ =	strace $0xD0000000  }
0x3: {  	_ = 	snop  }
0x4: {  	_ = 	snop  }
0x5: {  	_ = 	snop  }
0x6: {  	_ = 	snop  }
0x7: {  	_ = 	snop  }
__scs_overlays_trampoline_lowered:
0x8: {  	[smem:$0x3FAA] =	sst s0  }
0x9: {  	[smem:$0x3FAB] =	sst s1  }
0xa: {  	[smem:$0x3FAC] =	sst s2  }
0xb: {  	[smem:$0x3FAD] =	sst s3  }
0xc: {  	[smem:$0x3FAE] =	sst s4  }
0xd: {  	[smem:$0x3FAF] =	sst s5  }
0xe: {  	[smem:$0x3FB0] =	sst s6  }
0xf: {  	[smem:$0x3FB1] =	sst s7  }
0x10: {  	[smem:$0x3FB2] =	sst s8  }
0x11: {  	[smem:$0x3FB3] =	sst s9;
	s0 =	simm.s32 @!p0 $0x0  }
0x12: {  	s1 =	sld [smem:$0x3F99];
	s0 =	simm.s32 @p0 $0x1  }
0x13: {  	[smem:$0x3FB4] =	sst s0;
	s0 =	simm.s32 @!p1 $0x0  }
0x14: {  	s2 =	sld [smem:$0x3F98];
	s0 =	simm.s32 @p1 $0x1  }
0x15: {  	[smem:$0x3FB5] =	sst s0;
	s0 =	simm.s32 @!p2 $0x0  }
0x16: {  	s3 =	sld [smem:$0x3FDB];
	s0 =	simm.s32 @p2 $0x1  }
0x17: {  	s4 =	simm.s32 $0x1BF5;
	[smem:$0x3FB7] =	sst s0  }
0x18: {  	s0 =	sld [smem:$0x3F9A];
	_ =	swait.ge [sflag:s4], $0x0  }
0x19: {  	s7 =	sld [smem:$0x3F9B]  }
0x1a: {  	s8 =	sadd.s32 $0xFFFFE003, lr  }
0x1b: {  	s9 =	sadd.s32 $0xFFFFFEF7, lr;
	s5 =	simm.s32 $0xFFFFFFFF;
	p2 =	slt.u32 s8, $0xFFFFF086  }
0x1c: {  	p1 =	slt.u32 s9, $0xF7A;
	s5 =	simm.s32 @!p2 $0x0  }
0x1d: {  	s5 =	simm.s32 @p1 $0x1;
	p0 =	seq.s32 s7, s2  }
0x1e: {  	s7 =	smul.u32 @!p0 $0xF7A, s2;
	p2 =	seq.s32 @!p0 s5, $0x0  }
0x1f: {  	s9 =	smul.u32 $0xF7A, s1;
	s8 =	simm.s32 @!p0 $0x1BF5;
	p2 =	por !p2, p0  }
0x20: {  	[sflag:s8] =	ssyncset.s32 @!p0 $0xFFFFF086;
	s6 =	sadd.s32 @!p0 s3, s7;
	s7 =	simm.s32 @!p0 $0x108  }
0x21: {  	s3 =	sadd.s32 s3, s9;
	s6 =	sadd.s32 @!p0 $0x88, s6;
	s7 =	simm.s32 @p2 $0x1082  }
0x22: {  	[simem:s7], [sflag:s8] =	dma.local @!p0 [hbm:s6], $0xF7A  }
0x23: {  	s9 =	sor.u32 $0xD0000000, s2;
	s6 =	simm.s32 $0x108;
	_ =	swait.ge @!p0 [sflag:s8], $0x0  }
0x24: {  	s3 =	sadd.s32 $0x88, s3;
	s6 =	simm.s32 @!p1 $0x1082;
	[sflag:s4] =	ssyncset.s32 $0xFFFFF086  }
0x25: {  	[simem:s6], [sflag:s4] =	dma.local [hbm:s3], $0xF7A  }
0x26: {  	[smem:$0x3F9B] =	sst s1;
	(tag) =	ssettag s2;
	_ =	strace s9  }
0x27: {  	s1 =	sld [smem:$0x3FAB]  }
0x28: {  	s2 =	sld [smem:$0x3FAC]  }
0x29: {  	s4 =	sld [smem:$0x3FAE]  }
0x2a: {  	p0 =	seq.s32 s5, $0x0;
	s5 =	sld [smem:$0x3FAF]  }
0x2b: {  	s6 =	sld [smem:$0x3FB0]  }
0x2c: {  	s7 =	sld [smem:$0x3FB1]  }
0x2d: {  	s3 =	simm.s32 $0x108;
	s8 =	sld [smem:$0x3FB2]  }
0x2e: {  	s3 =	simm.s32 @!p0 $0x1082;
	s9 =	sld [smem:$0x3FB3]  }
0x2f: {  	lr =	sadd.s32 s0, s3;
	s0 =	sld [smem:$0x3FAA]  }
0x30: {  	s3 =	sld [smem:$0x3FAD]  }
0x31: {  	[smem:$0x3FB6] =	sst s10  }
0x32: {  	s10 =	sld [smem:$0x3FB4];
	_ =	sdelay $0x3  }
0x33: {  	p0 =	seq.s32 s10, $0x1;
	s10 =	sld [smem:$0x3FB6];
	_ =	sdelay $0x3  }
0x34: {  	[smem:$0x3FB6] =	sst s10  }
0x35: {  	s10 =	sld [smem:$0x3FB5];
	_ =	sdelay $0x3  }
0x36: {  	p1 =	seq.s32 s10, $0x1;
	s10 =	sld [smem:$0x3FB6];
	_ =	sdelay $0x3  }
0x37: {  	[smem:$0x3FB6] =	sst s10  }
0x38: {  	s10 =	sld [smem:$0x3FB7]  }
0x39: {  	_ = 	snop;
	(pc) =	sbr.ind lr, $3  }
0x3a: {  	_ = 	snop  }
0x3b: {  	_ = 	snop  }
0x3c: {  	p2 =	seq.s32 s10, $0x1;
	s10 =	sld [smem:$0x3FB6]  }
0x3d: {  	_ =	shalt  }
0x3e: {  	_ =	shalt  }
0x3f: {  	_ =	shalt  }
0x40: {  	_ =	shalt  }
0x41: {  	_ =	shalt  }
0x42: {  	_ =	shalt  }
0x43: {  	_ =	shalt  }
0x44: {  	_ =	shalt  }
0x45: {  	_ =	shalt  }
0x46: {  	_ =	shalt  }
0x47: {  	_ =	shalt  }
0x48: {  	_ =	shalt  }
0x49: {  	_ =	shalt  }
0x4a: {  	_ =	shalt  }
0x4b: {  	_ =	shalt  }
0x4c: {  	_ =	shalt  }
0x4d: {  	_ =	shalt  }
0x4e: {  	_ =	shalt  }
0x4f: {  	_ =	shalt  }
0x50: {  	_ =	shalt  }
0x51: {  	_ =	shalt  }
0x52: {  	_ =	shalt  }
0x53: {  	_ =	shalt  }
0x54: {  	_ =	shalt  }
0x55: {  	_ =	shalt  }
0x56: {  	_ =	shalt  }
0x57: {  	_ =	shalt  }
0x58: {  	_ =	shalt  }
0x59: {  	_ =	shalt  }
0x5a: {  	_ =	shalt  }
0x5b: {  	_ =	shalt  }
0x5c: {  	_ =	shalt  }
0x5d: {  	_ =	shalt  }
0x5e: {  	_ =	shalt  }
0x5f: {  	_ =	shalt  }
0x60: {  	_ =	shalt  }
0x61: {  	_ =	shalt  }
0x62: {  	_ =	shalt  }
0x63: {  	_ =	shalt  }
0x64: {  	_ =	shalt  }
0x65: {  	_ =	shalt  }
0x66: {  	_ =	shalt  }
0x67: {  	_ =	shalt  }
0x68: {  	_ =	shalt  }
0x69: {  	_ =	shalt  }
0x6a: {  	_ =	shalt  }
0x6b: {  	_ =	shalt  }
0x6c: {  	_ =	shalt  }
0x6d: {  	_ =	shalt  }
0x6e: {  	_ =	shalt  }
0x6f: {  	_ =	shalt  }
0x70: {  	_ =	shalt  }
0x71: {  	_ =	shalt  }
0x72: {  	_ =	shalt  }
0x73: {  	_ =	shalt  }
0x74: {  	_ =	shalt  }
0x75: {  	_ =	shalt  }
0x76: {  	_ =	shalt  }
0x77: {  	_ =	shalt  }
0x78: {  	_ =	shalt  }
0x79: {  	_ =	shalt  }
0x7a: {  	_ =	shalt  }
0x7b: {  	_ =	shalt  }
0x7c: {  	_ =	shalt  }
0x7d: {  	_ =	shalt  }
0x7e: {  	_ =	shalt  }
0x7f: {  	_ =	shalt  }
0x80: {  	_ =	shalt  }
0x81: {  	_ =	shalt  }
0x82: {  	_ =	shalt  }
0x83: {  	_ =	shalt  }
0x84: {  	_ =	shalt  }
0x85: {  	_ =	shalt  }
0x86: {  	_ =	shalt  }
0x87: {  	_ =	shalt  }
.Lfunc_end0:
.L_simem_size_0:
called_computation.1_lowered:
.L_overlay_start_0:
0x88: {  	s2 =	sld [smem:$0x3FD9]  }
0x89: {  	s3 =	sld [smem:$0x3FFE];
	_ =	sdelay $0x1  }
0x8a: {  	s1 =	srdreg.scid  }
0x8b: {  	s0 =	sand.u32 $0x1, s1  }
0x8c: {  	s17 =	sshll.u32 s0, $0xA;
	s2 =	sadd.s32 s3, s2  }
0x8d: {  	s2 =	sadd.s32 s2, s17  }
0x8e: {  	[smem:$0x3FC2] =	sst s2  }
0x8f: {  	_ = 	snop  }
0x90: {  	s2 =	sld [smem:$0x3FD0];
	(tm) =	ssettm $0x1  }
0x91: {  	s18 =	sld [smem:$0x3FFB];
	_ =	sdelay $0x3  }
0x92: {  	_ =	strace s18  }
0x93: {  	s3 =	sld [smem:$0x3FFC];
	_ =	sdelay $0x3  }
0x94: {  	_ =	strace s3  }
0x95: {  	s3 =	sld [smem:$0x3FFD];
	_ =	sdelay $0x3  }
0x96: {  	_ =	strace s3  }
0x97: {  	_ =	strace $0x8FFFFFFF  }
0x98: {  	s19 =	sld [smem:$0x3FDB];
	_ =	sdelay $0x1  }
0x99: {  	s4 =	simm.s32 $_scs_section_size  }
0x9a: {  	s5 =	simm.s32 $_size__tile_overlayer_lowered;
	s6 =	simm.s32 $_tile_overlayer_lowered  }
0x9b: {  	s22 =	simm.s32 $0x1BFF;
	s21 =	sshll.u32 s6, $0x1;
	s3 =	sadd.s32 s4, s19  }
0x9c: {  	s7 =	simm.s32 $0x0;
	s20 =	sshll.u32 s5, $0x1;
	s5 =	sadd.s32 s21, s3  }
0x9d: {  	[timem:s7], [sflag:s22] =	dma.local [hbm:s5], s20  }
0x9e: {  	_ =	swait.ge [sflag:s22], s20  }
0x9f: {  	s4 =	ssub.s32 $0x0, s20;
	[sflag:s22] =	ssyncset.done $0x0  }
0xa0: {  	[sflag:s22] =	ssyncadd.s32 s4;
	_ =	sdelay $0x1  }
0xa1: {  	s23 =	simm.s32 $0x1B8B  }
0xa2: {  	_ =	swait.ge [sflag:s23], $0x1  }
0xa3: {  	[sflag:s23] =	ssyncset.done $0x0  }
0xa4: {  	s25 =	simm.s32 $0x1B8E;
	s24 =	sld [smem:$0x3FFE];
	[sflag:s23] =	ssyncadd.s32 $0xFFFFFFFF  }
0xa5: {  	s26 =	simm.s32 $execute0_lowered;
	[smem:$0x3FD2] =	sst s25  }
0xa6: {  	s5 =	sshll.u32 s26, $0x1;
	_ =	strace $0x80000049;
	[dreg:$0x1] =	wrdreg $0xFFFFFFFF  }
0xa7: {  	s28 =	simm.s32 $_size_execute0_lowered;
	s3 =	sadd.s32 s3, s5;
	[dreg:$0x0] =	wrdreg $0x0  }
0xa8: {  	s5 =	sshll.u32 s28, $0x1;
	[dreg:$0x2] =	wrdreg s3  }
0xa9: {  	[dreg:$0x3] =	wrdreg s5  }
0xaa: {  	[dreg:$0x4] =	wrdreg $0xC0  }
0xab: {  	_ =	task [dreg:s7], $0x5FFFF  }
0xac: {  	[dreg:$0x1] =	wrdreg $0xFFFFFFFF  }
0xad: {  	[dreg:$0x0] =	wrdreg $0x60  }
0xae: {  	[dreg:$0x2] =	wrdreg s2  }
0xaf: {  	[dreg:$0x3] =	wrdreg s24  }
0xb0: {  	[dreg:$0x4] =	wrdreg $0x82000  }
0xb1: {  	[dreg:$0x5] =	wrdreg $0x9  }
0xb2: {  	_ =	task.clear_ibuf [dreg:s7], $0x6FFFF;
	_ =	strace $0x90000049  }
0xb3: {  	s29 =	simm.s32 $0x9;
	_ =	strace $0x8000004B  }
0xb4: {  	_ =	swait.ge [sflag:s29], $0x1  }
0xb5: {  	[sflag:s29] =	ssyncadd.s32 $0xFFFFFFFF  }
0xb6: {  	_ =	strace $0x9000004B  }
0xb7: {  	_ =	sfence  }
0xb8: {  	s30 =	sld [smem:$0x0];
	_ =	sdelay $0x2  }
0xb9: {  	s31 =	sshll.u32 s1, $0xD;
	s1 =	sshrl.u32 s1, $0x2  }
0xba: {  	s3 =	sand.u32 $0x4000, s31;
	s1 =	sadd.s32 s1, s30  }
0xbb: {  	s0 =	sor.u32 s3, s0;
	s1 =	sshll.u32 s1, $0x11  }
0xbc: {  	s0 =	sor.u32 s1, s0  }
0xbd: {  	s0 =	sadd.s32 $0x8F2B, s0  }
0xbe: {  	[sflag:s0] =	ssyncadd.remote.s32 $0x1  }
0xbf: {  	_ =	sfence.sel $0xFFFF  }
0xc0: {  	[dreg:$0x0] =	wrdreg $0xFFFFFFFF;
	(pc) =	sbr.abs _section_cstart, $3  }
0xc1: {  	[dreg:$0x1] =	wrdreg $0xFFFFFFFF  }
0xc2: {  	_ =	task.clear_ibuf [dreg:s7], $0x2FFFF;
	_ =	strace $0x9FFFFFFF  }
0xc3: {  	(tm) =	ssettm $0x7FFFFFFF  }
tec
execute0_lowered:
.L_overlay_start_1:
0x0: {  	(tag) =	ssettag $0x1  }
0x1: {  	s14 =	rddreg [dreg:$0x0]  }
0x2: {  	s5 =	rddreg [dreg:$0x1]  }
0x3: {  	s2 =	rddreg [dreg:$0x2];
	s3 =	simm.s32 $0x0;
	s1 =	stileid.u32  }
0x4: {  	s4 =	srdreg.scid;
	s19 =	simm.s32 $0x200;
	s20 =	simm.s32 $0x100  }
0x5: {  	s21 =	simm.s32 $0x180;
	s22 =	simm.s32 $0x4;
	s6 =	smul.u32 $0x14000, s1  }
0x6: {  	s28 =	simm.s32 $0x6;
	s29 =	simm.s32 $0x0;
	s23 =	smul.u32 $0x5000, s1  }
0x7: {  	[smem:$0x7FF] =	sst s3;
	s7 =	sand.u32 $0x1, s4;
	s11 =	smul.u32 $0x50000, s1  }
0x8: {  	s4 =	sadd.s32 $0x2A600, s5;
	s30 =	sshll.u32 s1, $0x6;
	s8 =	smul.u32 $0x140000, s7  }
0x9: {  	_ =	strace $0x8000004A;
	s10 =	smul.u32 $0x50000, s7;
	s7 =	ssub.s32 $0x2, s7  }
0xa: {  	s9 =	sshrl.u32 s6, $0x3;
	s24 =	sshrl.u32 s7, $0x1;
	s25 =	sshrl.u32 s11, $0x2  }
0xb: {  	s9 =	sadd.s32 s9, s5;
	s6 =	sadd.s32 s6, s8;
	s13 =	sadd.s32 s23, s10  }
0xc: {  	s15 =	ssub.s32 s7, s24;
	s16 =	sadd.s32 s25, s2;
	s7 =	sor.u32 $0x1C07, s30  }
0xd: {  	s23 =	simm.s32 $0x4200;
	s24 =	simm.s32 $0x1;
	s25 =	simm.s32 $0x2  }
0xe: {  	s6 =	sshrl.u32 s6, $0x3;
	s26 =	sshrl.u32 s13, $0x3;
	s17 =	sor.u32 $0x300, s13  }
0xf: {  	s18 =	sor.u32 $0x200, s13;
	s12 =	sadd.s32 s6, s5;
	s5 =	sadd.s32 s14, s26  }
0x10: {  	s6 =	sadd.s32 $0x2600, s9;
	s17 =	sshrl.u32 s17, $0x3;
	s31 =	sshrl.u32 s18, $0x3  }
0x11: {  	s18 =	simm.s32 $0x3;
	s26 =	simm.s32 $0x5;
	s8 =	sadd.s32 $0x10, s5  }
0x12: {  	s9 =	sadd.s32 $0x20, s5;
	s10 =	sadd.s32 $0x30, s5;
	s11 =	sadd.s32 $0x52600, s12  }
0x13: {  	s12 =	smax.u32 s15, $0x1;
	s13 =	sadd.s32 s17, s14;
	s14 =	sadd.s32 s31, s14  }
0x14: {  	s15 =	sshrl.u32 s16, $0x3;
	s16 =	simm.s32 $0x7;
	s17 =	simm.s32 $0x80  }
.LBB2_1:
0x15: {  	[spmem:s15], [sflag:s7] =	dma.local [hbm:s6], $0x2800  }
0x16: {  	_ =	swait.ge [sflag:s16], $0x2800  }
0x17: {  	[sflag:s16] =	ssyncset.done $0x0  }
0x18: {  	[sflag:s16] =	ssyncadd.s32 $0xFFFFD800  }
0x19: {  	[bflag:$0x0] =	sbarrier.arrive $0xFFFF  }
0x1a: {  	[tilespmem:s3], [sflag:$0x3] =	stream.linear.gather [hbm4b:s5+s3], $0x80, $0x38;
	[tilespmem:$0x1C200] =	vst v63  }
0x1b: {  	_ = 	snop  }
0x1c: {  	[tilespmem:s17], [sflag:$0x3] =	stream.linear.gather [hbm4b:s8+s3], $0x80, $0x38;
	[tilespmem:$0x1C200] =	vst v63  }
0x1d: {  	_ =	swait.ge [sflag:s18], $0x80  }
0x1e: {  	[sflag:s18] =	ssyncset.done $0x0  }
0x1f: {  	[sflag:s18] =	ssyncadd.s32 $0xFFFFFF80  }
0x20: {  	_ =	swait.ge [sflag:s18], $0x80  }
0x21: {  	[sflag:s18] =	ssyncset.done $0x0  }
0x22: {  	[sflag:s18] =	ssyncadd.s32 $0xFFFFFF80  }
0x23: {  	[tilespmem:s19], [sflag:$0x1] =	stream.indirect.gather [hbm4b:s4+s17], $0x80, s3, s17, $0xb8;
	[tilespmem:$0x1C200] =	vst v63  }
0x24: {  	_ = 	snop  }
0x25: {  	[tilespmem:s20], [sflag:$0x4] =	stream.linear.gather [hbm4b:s9+s3], $0x80, $0x38;
	[tilespmem:$0x1C200] =	vst v63  }
0x26: {  	_ = 	snop  }
0x27: {  	[tilespmem:s21], [sflag:$0x4] =	stream.linear.gather [hbm4b:s10+s3], $0x80, $0x38;
	[tilespmem:$0x1C200] =	vst v63  }
0x28: {  	_ =	swait.ge [sflag:s22], $0x80  }
0x29: {  	[sflag:s22] =	ssyncset.done $0x0  }
0x2a: {  	[sflag:s22] =	ssyncadd.s32 $0xFFFFFF80  }
0x2b: {  	_ =	swait.ge [sflag:s22], $0x80  }
0x2c: {  	[sflag:s22] =	ssyncset.done $0x0  }
0x2d: {  	[sflag:s22] =	ssyncadd.s32 $0xFFFFFF80  }
0x2e: {  	[tilespmem:s23], [sflag:$0x2] =	stream.indirect.gather [hbm4b:s4+s17], $0x80, s20, s17, $0xb8;
	[tilespmem:$0x1C200] =	vst v63  }
0x2f: {  	_ =	swait.ge [sflag:s24], $0x4000  }
0x30: {  	[sflag:s24] =	ssyncset.done $0x0  }
0x31: {  	[sflag:s24] =	ssyncadd.s32 $0xFFFFC000  }
0x32: {  	[spmem:s2] =	stream.indirect.scatter.add.f32 [tilespmem:s19], [sflag:$0x5], $0x80, s17, s17, $0xb8;
	[tilespmem:$0x1C200] =	vst v63  }
0x33: {  	_ =	swait.ge [sflag:s25], $0x4000  }
0x34: {  	[sflag:s25] =	ssyncset.done $0x0  }
0x35: {  	[sflag:s25] =	ssyncadd.s32 $0xFFFFC000  }
0x36: {  	_ =	swait.ge [sflag:s26], $0x4000  }
0x37: {  	[sflag:s26] =	ssyncset.done $0x0  }
0x38: {  	[sflag:s26] =	ssyncadd.s32 $0xFFFFC000  }
0x39: {  	[spmem:s2] =	stream.indirect.scatter.add.f32 [tilespmem:s23], [sflag:$0x6], $0x80, s21, s17, $0xb8;
	[tilespmem:$0x1C200] =	vst v63  }
0x3a: {  	s30 =	sadd.s32 $0x0, s14  }
0x3b: {  	[tilespmem:s3], [sflag:$0x3] =	stream.linear.gather [hbm4b:s30+s3], $0x80, $0x38;
	[tilespmem:$0x1C200] =	vst v63  }
0x3c: {  	s30 =	sadd.s32 $0x10, s30  }
0x3d: {  	[tilespmem:s17], [sflag:$0x3] =	stream.linear.gather [hbm4b:s30+s3], $0x80, $0x38;
	[tilespmem:$0x1C200] =	vst v63  }
0x3e: {  	_ =	swait.ge [sflag:s18], $0x80  }
0x3f: {  	[sflag:s18] =	ssyncset.done $0x0  }
0x40: {  	[sflag:s18] =	ssyncadd.s32 $0xFFFFFF80  }
0x41: {  	_ =	swait.ge [sflag:s18], $0x80  }
0x42: {  	[sflag:s18] =	ssyncset.done $0x0  }
0x43: {  	[sflag:s18] =	ssyncadd.s32 $0xFFFFFF80  }
0x44: {  	[tilespmem:s19], [sflag:$0x1] =	stream.indirect.gather [hbm4b:s4+s17], $0x80, s3, s17, $0xb8;
	[tilespmem:$0x1C200] =	vst v63  }
0x45: {  	_ =	swait.ge [sflag:s28], $0x4000  }
0x46: {  	[sflag:s28] =	ssyncset.done $0x0  }
0x47: {  	s31 =	sadd.s32 $0x0, s13;
	[sflag:s28] =	ssyncadd.s32 $0xFFFFC000  }
0x48: {  	[tilespmem:s20], [sflag:$0x4] =	stream.linear.gather [hbm4b:s31+s3], $0x80, $0x38;
	[tilespmem:$0x1C200] =	vst v63  }
0x49: {  	s30 =	simm.s32 $0x40;
	s31 =	sadd.s32 $0x10, s31  }
.LBB2_2:
0x4a: {  	[tilespmem:s21], [sflag:$0x4] =	stream.linear.gather [hbm4b:s31+s3], $0x80, $0x38;
	[tilespmem:$0x1C200] =	vst v63  }
0x4b: {  	s31 =	smov.u32 s30  }
0x4c: {  	p0 =	sne.s32 s30, $0x980;
	s30 =	sadd.s32 $0x40, s30;
	_ =	swait.ge [sflag:s22], $0x80  }
0x4d: {  	[sflag:s22] =	ssyncset.done $0x0  }
0x4e: {  	[sflag:s22] =	ssyncadd.s32 $0xFFFFFF80  }
0x4f: {  	_ =	swait.ge [sflag:s22], $0x80  }
0x50: {  	[sflag:s22] =	ssyncset.done $0x0  }
0x51: {  	[sflag:s22] =	ssyncadd.s32 $0xFFFFFF80  }
0x52: {  	[tilespmem:s23], [sflag:$0x2] =	stream.indirect.gather [hbm4b:s4+s17], $0x80, s20, s17, $0xb8;
	[tilespmem:$0x1C200] =	vst v63  }
0x53: {  	_ =	swait.ge [sflag:s24], $0x4000  }
0x54: {  	[sflag:s24] =	ssyncset.done $0x0  }
0x55: {  	[sflag:s24] =	ssyncadd.s32 $0xFFFFC000  }
0x56: {  	[spmem:s2] =	stream.indirect.scatter.add.f32 [tilespmem:s19], [sflag:$0x5], $0x80, s17, s17, $0xb8;
	[tilespmem:$0x1C200] =	vst v63  }
0x57: {  	_ =	swait.ge [sflag:s25], $0x4000  }
0x58: {  	[sflag:s25] =	ssyncset.done $0x0  }
0x59: {  	[sflag:s25] =	ssyncadd.s32 $0xFFFFC000  }
0x5a: {  	_ =	swait.ge [sflag:s26], $0x4000  }
0x5b: {  	[sflag:s26] =	ssyncset.done $0x0  }
0x5c: {  	[sflag:s26] =	ssyncadd.s32 $0xFFFFC000  }
0x5d: {  	[spmem:s2] =	stream.indirect.scatter.add.f32 [tilespmem:s23], [sflag:$0x6], $0x80, s21, s17, $0xb8;
	[tilespmem:$0x1C200] =	vst v63  }
0x5e: {  	s0 =	sadd.s32 s31, s14  }
0x5f: {  	[tilespmem:s3], [sflag:$0x3] =	stream.linear.gather [hbm4b:s0+s3], $0x80, $0x38;
	[tilespmem:$0x1C200] =	vst v63  }
0x60: {  	s0 =	sadd.s32 $0x10, s0  }
0x61: {  	[tilespmem:s17], [sflag:$0x3] =	stream.linear.gather [hbm4b:s0+s3], $0x80, $0x38;
	[tilespmem:$0x1C200] =	vst v63  }
0x62: {  	_ =	swait.ge [sflag:s18], $0x80  }
0x63: {  	[sflag:s18] =	ssyncset.done $0x0  }
0x64: {  	[sflag:s18] =	ssyncadd.s32 $0xFFFFFF80  }
0x65: {  	_ =	swait.ge [sflag:s18], $0x80  }
0x66: {  	[sflag:s18] =	ssyncset.done $0x0  }
0x67: {  	[sflag:s18] =	ssyncadd.s32 $0xFFFFFF80  }
0x68: {  	[tilespmem:s19], [sflag:$0x1] =	stream.indirect.gather [hbm4b:s4+s17], $0x80, s3, s17, $0xb8;
	[tilespmem:$0x1C200] =	vst v63  }
.Ltmp0:
0x69: {  	_ =	swait.ge [sflag:s28], $0x4000;
	(pc) =	sbr.rel @p0 .LBB2_2-.Ltmp0, $4  }
0x6a: {  	[sflag:s28] =	ssyncset.done $0x0  }
0x6b: {  	s0 =	sadd.s32 s31, s13;
	[sflag:s28] =	ssyncadd.s32 $0xFFFFC000  }
0x6c: {  	[tilespmem:s20], [sflag:$0x4] =	stream.linear.gather [hbm4b:s0+s3], $0x80, $0x38;
	[tilespmem:$0x1C200] =	vst v63  }
0x6d: {  	s31 =	sadd.s32 $0x10, s0  }
0x6e: {  	[tilespmem:s21], [sflag:$0x4] =	stream.linear.gather [hbm4b:s31+s3], $0x80, $0x38;
	[tilespmem:$0x1C200] =	vst v63  }
0x6f: {  	_ =	swait.ge [sflag:s22], $0x80  }
0x70: {  	[sflag:s22] =	ssyncset.done $0x0  }
0x71: {  	[sflag:s22] =	ssyncadd.s32 $0xFFFFFF80  }
0x72: {  	_ =	swait.ge [sflag:s22], $0x80  }
0x73: {  	[sflag:s22] =	ssyncset.done $0x0  }
0x74: {  	[sflag:s22] =	ssyncadd.s32 $0xFFFFFF80  }
0x75: {  	_ =	swait.ge [sflag:s24], $0x4000  }
0x76: {  	[sflag:s24] =	ssyncset.done $0x0  }
0x77: {  	[sflag:s24] =	ssyncadd.s32 $0xFFFFC000  }
0x78: {  	[spmem:s2] =	stream.indirect.scatter.add.f32 [tilespmem:s19], [sflag:$0x7], $0x80, s17, s17, $0xb8;
	[tilespmem:$0x1C200] =	vst v63  }
0x79: {  	_ =	swait.ge [sflag:s16], $0x4000  }
0x7a: {  	s29 =	sadd.s32 $0x1, s29;
	[sflag:s16] =	ssyncset.done $0x0  }
0x7b: {  	p0 =	sne.s32 s29, s12;
	[sflag:s16] =	ssyncadd.s32 $0xFFFFC000  }
.Ltmp1:
0x7c: {  	[bflag:$0x0] =	sbarrier.arrive $0xFFFF;
	(pc) =	sbr.rel @p0 .LBB2_1-.Ltmp1, $4  }
0x7d: {  	[hbm:s11], [sflag:s7] =	dma.local [spmem:s15], $0x2800  }
0x7e: {  	_ =	swait.ge [sflag:s16], $0x2800  }
0x7f: {  	[sflag:s16] =	ssyncset.done $0x0  }
0x80: {  	[sflag:s16] =	ssyncadd.s32 $0xFFFFD800  }
0x81: {  	_ =	sfence.sel $0x180000  }
0x82: {  	[bflag:$0x0] =	sbarrier.arrive $0xFFFF  }
0x83: {  	_ =	strace $0x9000004A  }
0x84: {  	[bflag:$0x2] =	sbarrier.arrive $0xFFFF  }
0x85: {  	p0 =	sne.s32 s1, $0x0;
	s0 =	rddreg [dreg:$0x3]  }
0x86: {  	s0 =	sadd.s32 @!p0 $0x100000, s0  }
0x87: {  	[sflag:s0] =	ssyncadd.tile.s32 @!p0 $0x1;
	_ =	shalt  }
.Lfunc_end2:
_tile_overlayer_lowered:
.L_overlay_start_2:
0x88: {  	(tag) =	ssettag $0x2  }
0x89: {  	s0 =	rddreg [dreg:$0x0];
	s2 =	stileid.u32  }
0x8a: {  	s1 =	rddreg [dreg:$0x1];
	p0 =	sne.s32 s2, $0x0  }
0x8b: {  	s3 =	rddreg [dreg:$0x2];
	[bflag:$0x3] =	sbarrier.arrive $0xFFFF;
	s2 =	simm.s32 @!p0 $0x1C07  }
0x8c: {  	[timem:s3], [sflag:s2] =	dma.local @!p0 [hbm:s0], s1  }
0x8d: {  	s0 =	simm.s32 @!p0 $0x7  }
0x8e: {  	_ =	swait.ge @!p0 [sflag:s0], s1  }
0x8f: {  	s1 =	ssub.s32 @!p0 $0x0, s1;
	[sflag:s0] =	ssyncset.done @!p0 $0x0  }
0x90: {  	[sflag:s0] =	ssyncadd.s32 @!p0 s1  }
0x91: {  	[bflag:$0x3] =	sbarrier.arrive $0xFFFF  }
0x92: {  	_ =	shalt  }

// kernel: kernel.14.cloned.1.call-start
scs
__scs_entry_jumppad:
0x0: {  	(pc) =	sbr.rel $0x88, $3  }
0x1: {  	(tag) =	ssettag $0x0;
	lr =	simm.s32 $0x1  }
0x2: {  	[smem:$0x3F9B] =	sst lr;
	_ =	strace $0xD0000000  }
0x3: {  	_ = 	snop  }
0x4: {  	_ = 	snop  }
0x5: {  	_ = 	snop  }
0x6: {  	_ = 	snop  }
0x7: {  	_ = 	snop  }
__scs_overlays_trampoline_lowered:
0x8: {  	[smem:$0x3FAA] =	sst s0  }
0x9: {  	[smem:$0x3FAB] =	sst s1  }
0xa: {  	[smem:$0x3FAC] =	sst s2  }
0xb: {  	[smem:$0x3FAD] =	sst s3  }
0xc: {  	[smem:$0x3FAE] =	sst s4  }
0xd: {  	[smem:$0x3FAF] =	sst s5  }
0xe: {  	[smem:$0x3FB0] =	sst s6  }
0xf: {  	[smem:$0x3FB1] =	sst s7  }
0x10: {  	[smem:$0x3FB2] =	sst s8  }
0x11: {  	[smem:$0x3FB3] =	sst s9;
	s0 =	simm.s32 @!p0 $0x0  }
0x12: {  	s1 =	sld [smem:$0x3F99];
	s0 =	simm.s32 @p0 $0x1  }
0x13: {  	[smem:$0x3FB4] =	sst s0;
	s0 =	simm.s32 @!p1 $0x0  }
0x14: {  	s2 =	sld [smem:$0x3F98];
	s0 =	simm.s32 @p1 $0x1  }
0x15: {  	[smem:$0x3FB5] =	sst s0;
	s0 =	simm.s32 @!p2 $0x0  }
0x16: {  	s3 =	sld [smem:$0x3FDB];
	s0 =	simm.s32 @p2 $0x1  }
0x17: {  	s4 =	simm.s32 $0x1BF5;
	[smem:$0x3FB7] =	sst s0  }
0x18: {  	s0 =	sld [smem:$0x3F9A];
	_ =	swait.ge [sflag:s4], $0x0  }
0x19: {  	s7 =	sld [smem:$0x3F9B]  }
0x1a: {  	s8 =	sadd.s32 $0xFFFFE003, lr  }
0x1b: {  	s9 =	sadd.s32 $0xFFFFFEF7, lr;
	s5 =	simm.s32 $0xFFFFFFFF;
	p2 =	slt.u32 s8, $0xFFFFF086  }
0x1c: {  	p1 =	slt.u32 s9, $0xF7A;
	s5 =	simm.s32 @!p2 $0x0  }
0x1d: {  	s5 =	simm.s32 @p1 $0x1;
	p0 =	seq.s32 s7, s2  }
0x1e: {  	s7 =	smul.u32 @!p0 $0xF7A, s2;
	p2 =	seq.s32 @!p0 s5, $0x0  }
0x1f: {  	s9 =	smul.u32 $0xF7A, s1;
	s8 =	simm.s32 @!p0 $0x1BF5;
	p2 =	por !p2, p0  }
0x20: {  	[sflag:s8] =	ssyncset.s32 @!p0 $0xFFFFF086;
	s6 =	sadd.s32 @!p0 s3, s7;
	s7 =	simm.s32 @!p0 $0x108  }
0x21: {  	s3 =	sadd.s32 s3, s9;
	s6 =	sadd.s32 @!p0 $0x88, s6;
	s7 =	simm.s32 @p2 $0x1082  }
0x22: {  	[simem:s7], [sflag:s8] =	dma.local @!p0 [hbm:s6], $0xF7A  }
0x23: {  	s9 =	sor.u32 $0xD0000000, s2;
	s6 =	simm.s32 $0x108;
	_ =	swait.ge @!p0 [sflag:s8], $0x0  }
0x24: {  	s3 =	sadd.s32 $0x88, s3;
	s6 =	simm.s32 @!p1 $0x1082;
	[sflag:s4] =	ssyncset.s32 $0xFFFFF086  }
0x25: {  	[simem:s6], [sflag:s4] =	dma.local [hbm:s3], $0xF7A  }
0x26: {  	[smem:$0x3F9B] =	sst s1;
	(tag) =	ssettag s2;
	_ =	strace s9  }
0x27: {  	s1 =	sld [smem:$0x3FAB]  }
0x28: {  	s2 =	sld [smem:$0x3FAC]  }
0x29: {  	s4 =	sld [smem:$0x3FAE]  }
0x2a: {  	p0 =	seq.s32 s5, $0x0;
	s5 =	sld [smem:$0x3FAF]  }
0x2b: {  	s6 =	sld [smem:$0x3FB0]  }
0x2c: {  	s7 =	sld [smem:$0x3FB1]  }
0x2d: {  	s3 =	simm.s32 $0x108;
	s8 =	sld [smem:$0x3FB2]  }
0x2e: {  	s3 =	simm.s32 @!p0 $0x1082;
	s9 =	sld [smem:$0x3FB3]  }
0x2f: {  	lr =	sadd.s32 s0, s3;
	s0 =	sld [smem:$0x3FAA]  }
0x30: {  	s3 =	sld [smem:$0x3FAD]  }
0x31: {  	[smem:$0x3FB6] =	sst s10  }
0x32: {  	s10 =	sld [smem:$0x3FB4];
	_ =	sdelay $0x3  }
0x33: {  	p0 =	seq.s32 s10, $0x1;
	s10 =	sld [smem:$0x3FB6];
	_ =	sdelay $0x3  }
0x34: {  	[smem:$0x3FB6] =	sst s10  }
0x35: {  	s10 =	sld [smem:$0x3FB5];
	_ =	sdelay $0x3  }
0x36: {  	p1 =	seq.s32 s10, $0x1;
	s10 =	sld [smem:$0x3FB6];
	_ =	sdelay $0x3  }
0x37: {  	[smem:$0x3FB6] =	sst s10  }
0x38: {  	s10 =	sld [smem:$0x3FB7]  }
0x39: {  	_ = 	snop;
	(pc) =	sbr.ind lr, $3  }
0x3a: {  	_ = 	snop  }
0x3b: {  	_ = 	snop  }
0x3c: {  	p2 =	seq.s32 s10, $0x1;
	s10 =	sld [smem:$0x3FB6]  }
0x3d: {  	_ =	shalt  }
0x3e: {  	_ =	shalt  }
0x3f: {  	_ =	shalt  }
0x40: {  	_ =	shalt  }
0x41: {  	_ =	shalt  }
0x42: {  	_ =	shalt  }
0x43: {  	_ =	shalt  }
0x44: {  	_ =	shalt  }
0x45: {  	_ =	shalt  }
0x46: {  	_ =	shalt  }
0x47: {  	_ =	shalt  }
0x48: {  	_ =	shalt  }
0x49: {  	_ =	shalt  }
0x4a: {  	_ =	shalt  }
0x4b: {  	_ =	shalt  }
0x4c: {  	_ =	shalt  }
0x4d: {  	_ =	shalt  }
0x4e: {  	_ =	shalt  }
0x4f: {  	_ =	shalt  }
0x50: {  	_ =	shalt  }
0x51: {  	_ =	shalt  }
0x52: {  	_ =	shalt  }
0x53: {  	_ =	shalt  }
0x54: {  	_ =	shalt  }
0x55: {  	_ =	shalt  }
0x56: {  	_ =	shalt  }
0x57: {  	_ =	shalt  }
0x58: {  	_ =	shalt  }
0x59: {  	_ =	shalt  }
0x5a: {  	_ =	shalt  }
0x5b: {  	_ =	shalt  }
0x5c: {  	_ =	shalt  }
0x5d: {  	_ =	shalt  }
0x5e: {  	_ =	shalt  }
0x5f: {  	_ =	shalt  }
0x60: {  	_ =	shalt  }
0x61: {  	_ =	shalt  }
0x62: {  	_ =	shalt  }
0x63: {  	_ =	shalt  }
0x64: {  	_ =	shalt  }
0x65: {  	_ =	shalt  }
0x66: {  	_ =	shalt  }
0x67: {  	_ =	shalt  }
0x68: {  	_ =	shalt  }
0x69: {  	_ =	shalt  }
0x6a: {  	_ =	shalt  }
0x6b: {  	_ =	shalt  }
0x6c: {  	_ =	shalt  }
0x6d: {  	_ =	shalt  }
0x6e: {  	_ =	shalt  }
0x6f: {  	_ =	shalt  }
0x70: {  	_ =	shalt  }
0x71: {  	_ =	shalt  }
0x72: {  	_ =	shalt  }
0x73: {  	_ =	shalt  }
0x74: {  	_ =	shalt  }
0x75: {  	_ =	shalt  }
0x76: {  	_ =	shalt  }
0x77: {  	_ =	shalt  }
0x78: {  	_ =	shalt  }
0x79: {  	_ =	shalt  }
0x7a: {  	_ =	shalt  }
0x7b: {  	_ =	shalt  }
0x7c: {  	_ =	shalt  }
0x7d: {  	_ =	shalt  }
0x7e: {  	_ =	shalt  }
0x7f: {  	_ =	shalt  }
0x80: {  	_ =	shalt  }
0x81: {  	_ =	shalt  }
0x82: {  	_ =	shalt  }
0x83: {  	_ =	shalt  }
0x84: {  	_ =	shalt  }
0x85: {  	_ =	shalt  }
0x86: {  	_ =	shalt  }
0x87: {  	_ =	shalt  }
.Lfunc_end0:
.L_simem_size_0:
called_computation.2_lowered:
.L_overlay_start_0:
0x88: {  	s2 =	sld [smem:$0x3FD9]  }
0x89: {  	s3 =	sld [smem:$0x3FFE];
	_ =	sdelay $0x1  }
0x8a: {  	s1 =	srdreg.scid  }
0x8b: {  	s0 =	sand.u32 $0x1, s1  }
0x8c: {  	s17 =	sshll.u32 s0, $0xA;
	s2 =	sadd.s32 s3, s2  }
0x8d: {  	s2 =	sadd.s32 s2, s17  }
0x8e: {  	[smem:$0x3FC2] =	sst s2  }
0x8f: {  	_ = 	snop  }
0x90: {  	s2 =	sld [smem:$0x3FD0];
	(tm) =	ssettm $0x1  }
0x91: {  	s18 =	sld [smem:$0x3FFB];
	_ =	sdelay $0x3  }
0x92: {  	_ =	strace s18  }
0x93: {  	s3 =	sld [smem:$0x3FFC];
	_ =	sdelay $0x3  }
0x94: {  	_ =	strace s3  }
0x95: {  	s3 =	sld [smem:$0x3FFD];
	_ =	sdelay $0x3  }
0x96: {  	_ =	strace s3  }
0x97: {  	_ =	strace $0x8FFFFFFF  }
0x98: {  	s19 =	sld [smem:$0x3FDB];
	_ =	sdelay $0x1  }
0x99: {  	s4 =	simm.s32 $_scs_section_size  }
0x9a: {  	s5 =	simm.s32 $_size__tile_overlayer_lowered;
	s6 =	simm.s32 $_tile_overlayer_lowered  }
0x9b: {  	s22 =	simm.s32 $0x1BFF;
	s21 =	sshll.u32 s6, $0x1;
	s3 =	sadd.s32 s4, s19  }
0x9c: {  	s7 =	simm.s32 $0x0;
	s20 =	sshll.u32 s5, $0x1;
	s5 =	sadd.s32 s21, s3  }
0x9d: {  	[timem:s7], [sflag:s22] =	dma.local [hbm:s5], s20  }
0x9e: {  	_ =	swait.ge [sflag:s22], s20  }
0x9f: {  	s4 =	ssub.s32 $0x0, s20;
	[sflag:s22] =	ssyncset.done $0x0  }
0xa0: {  	[sflag:s22] =	ssyncadd.s32 s4;
	_ =	sdelay $0x1  }
0xa1: {  	s23 =	simm.s32 $0x1B8B  }
0xa2: {  	_ =	swait.ge [sflag:s23], $0x1  }
0xa3: {  	[sflag:s23] =	ssyncset.done $0x0  }
0xa4: {  	s25 =	simm.s32 $0x1B8E;
	s24 =	sld [smem:$0x3FFE];
	[sflag:s23] =	ssyncadd.s32 $0xFFFFFFFF  }
0xa5: {  	s26 =	simm.s32 $execute0_lowered;
	[smem:$0x3FD2] =	sst s25  }
0xa6: {  	s5 =	sshll.u32 s26, $0x1;
	_ =	strace $0x8000004C;
	[dreg:$0x1] =	wrdreg $0xFFFFFFFF  }
0xa7: {  	s28 =	simm.s32 $_size_execute0_lowered;
	s3 =	sadd.s32 s3, s5;
	[dreg:$0x0] =	wrdreg $0x0  }
0xa8: {  	s5 =	sshll.u32 s28, $0x1;
	[dreg:$0x2] =	wrdreg s3  }
0xa9: {  	[dreg:$0x3] =	wrdreg s5  }
0xaa: {  	[dreg:$0x4] =	wrdreg $0xC0  }
0xab: {  	_ =	task [dreg:s7], $0x5FFFF  }
0xac: {  	[dreg:$0x1] =	wrdreg $0xFFFFFFFF  }
0xad: {  	[dreg:$0x0] =	wrdreg $0x60  }
0xae: {  	[dreg:$0x2] =	wrdreg s2  }
0xaf: {  	[dreg:$0x3] =	wrdreg s24  }
0xb0: {  	[dreg:$0x4] =	wrdreg $0x82000  }
0xb1: {  	[dreg:$0x5] =	wrdreg $0x9  }
0xb2: {  	_ =	task.clear_ibuf [dreg:s7], $0x6FFFF;
	_ =	strace $0x9000004C  }
0xb3: {  	s29 =	simm.s32 $0x9;
	_ =	strace $0x8000004E  }
0xb4: {  	_ =	swait.ge [sflag:s29], $0x1  }
0xb5: {  	[sflag:s29] =	ssyncadd.s32 $0xFFFFFFFF  }
0xb6: {  	_ =	strace $0x9000004E  }
0xb7: {  	_ =	sfence  }
0xb8: {  	s30 =	sld [smem:$0x0];
	_ =	sdelay $0x2  }
0xb9: {  	s31 =	sshll.u32 s1, $0xD;
	s1 =	sshrl.u32 s1, $0x2  }
0xba: {  	s3 =	sand.u32 $0x4000, s31;
	s1 =	sadd.s32 s1, s30  }
0xbb: {  	s0 =	sor.u32 s3, s0;
	s1 =	sshll.u32 s1, $0x11  }
0xbc: {  	s0 =	sor.u32 s1, s0  }
0xbd: {  	s0 =	sadd.s32 $0x8F2B, s0  }
0xbe: {  	[sflag:s0] =	ssyncadd.remote.s32 $0x1  }
0xbf: {  	_ =	sfence.sel $0xFFFF  }
0xc0: {  	[dreg:$0x0] =	wrdreg $0xFFFFFFFF;
	(pc) =	sbr.abs _section_cstart, $3  }
0xc1: {  	[dreg:$0x1] =	wrdreg $0xFFFFFFFF  }
0xc2: {  	_ =	task.clear_ibuf [dreg:s7], $0x2FFFF;
	_ =	strace $0x9FFFFFFF  }
0xc3: {  	(tm) =	ssettm $0x7FFFFFFF  }
tec
execute0_lowered:
.L_overlay_start_1:
0x0: {  	(tag) =	ssettag $0x1  }
0x1: {  	s14 =	rddreg [dreg:$0x0]  }
0x2: {  	s5 =	rddreg [dreg:$0x1]  }
0x3: {  	s2 =	rddreg [dreg:$0x2];
	s3 =	simm.s32 $0x0;
	s1 =	stileid.u32  }
0x4: {  	s4 =	srdreg.scid;
	s19 =	simm.s32 $0x200;
	s20 =	simm.s32 $0x100  }
0x5: {  	s21 =	simm.s32 $0x180;
	s22 =	simm.s32 $0x4;
	s6 =	smul.u32 $0x14000, s1  }
0x6: {  	s28 =	simm.s32 $0x6;
	s29 =	simm.s32 $0x0;
	s23 =	smul.u32 $0x5000, s1  }
0x7: {  	[smem:$0x7FF] =	sst s3;
	s7 =	sand.u32 $0x1, s4;
	s11 =	smul.u32 $0x50000, s1  }
0x8: {  	s4 =	sadd.s32 $0x2A600, s5;
	s30 =	sshll.u32 s1, $0x6;
	s8 =	smul.u32 $0x140000, s7  }
0x9: {  	_ =	strace $0x8000004D;
	s10 =	smul.u32 $0x50000, s7;
	s7 =	ssub.s32 $0x2, s7  }
0xa: {  	s9 =	sshrl.u32 s6, $0x3;
	s24 =	sshrl.u32 s7, $0x1;
	s25 =	sshrl.u32 s11, $0x2  }
0xb: {  	s9 =	sadd.s32 s9, s5;
	s6 =	sadd.s32 s6, s8;
	s13 =	sadd.s32 s23, s10  }
0xc: {  	s15 =	ssub.s32 s7, s24;
	s16 =	sadd.s32 s25, s2;
	s7 =	sor.u32 $0x1C07, s30  }
0xd: {  	s23 =	simm.s32 $0x4200;
	s24 =	simm.s32 $0x1;
	s25 =	simm.s32 $0x2  }
0xe: {  	s6 =	sshrl.u32 s6, $0x3;
	s26 =	sshrl.u32 s13, $0x3;
	s17 =	sor.u32 $0x300, s13  }
0xf: {  	s18 =	sor.u32 $0x200, s13;
	s12 =	sadd.s32 s6, s5;
	s5 =	sadd.s32 s14, s26  }
0x10: {  	s6 =	sadd.s32 $0x2600, s9;
	s17 =	sshrl.u32 s17, $0x3;
	s31 =	sshrl.u32 s18, $0x3  }
0x11: {  	s18 =	simm.s32 $0x3;
	s26 =	simm.s32 $0x5;
	s8 =	sadd.s32 $0x10, s5  }
0x12: {  	s9 =	sadd.s32 $0x20, s5;
	s10 =	sadd.s32 $0x30, s5;
	s11 =	sadd.s32 $0x52600, s12  }
0x13: {  	s12 =	smax.u32 s15, $0x1;
	s13 =	sadd.s32 s17, s14;
	s14 =	sadd.s32 s31, s14  }
0x14: {  	s15 =	sshrl.u32 s16, $0x3;
	s16 =	simm.s32 $0x7;
	s17 =	simm.s32 $0x80  }
.LBB2_1:
0x15: {  	[spmem:s15], [sflag:s7] =	dma.local [hbm:s6], $0x2800  }
0x16: {  	_ =	swait.ge [sflag:s16], $0x2800  }
0x17: {  	[sflag:s16] =	ssyncset.done $0x0  }
0x18: {  	[sflag:s16] =	ssyncadd.s32 $0xFFFFD800  }
0x19: {  	[bflag:$0x0] =	sbarrier.arrive $0xFFFF  }
0x1a: {  	[tilespmem:s3], [sflag:$0x3] =	stream.linear.gather [hbm4b:s5+s3], $0x80, $0x38;
	[tilespmem:$0x1C200] =	vst v63  }
0x1b: {  	_ = 	snop  }
0x1c: {  	[tilespmem:s17], [sflag:$0x3] =	stream.linear.gather [hbm4b:s8+s3], $0x80, $0x38;
	[tilespmem:$0x1C200] =	vst v63  }
0x1d: {  	_ =	swait.ge [sflag:s18], $0x80  }
0x1e: {  	[sflag:s18] =	ssyncset.done $0x0  }
0x1f: {  	[sflag:s18] =	ssyncadd.s32 $0xFFFFFF80  }
0x20: {  	_ =	swait.ge [sflag:s18], $0x80  }
0x21: {  	[sflag:s18] =	ssyncset.done $0x0  }
0x22: {  	[sflag:s18] =	ssyncadd.s32 $0xFFFFFF80  }
0x23: {  	[tilespmem:s19], [sflag:$0x1] =	stream.indirect.gather [hbm4b:s4+s17], $0x80, s3, s17, $0xb8;
	[tilespmem:$0x1C200] =	vst v63  }
0x24: {  	_ = 	snop  }
0x25: {  	[tilespmem:s20], [sflag:$0x4] =	stream.linear.gather [hbm4b:s9+s3], $0x80, $0x38;
	[tilespmem:$0x1C200] =	vst v63  }
0x26: {  	_ = 	snop  }
0x27: {  	[tilespmem:s21], [sflag:$0x4] =	stream.linear.gather [hbm4b:s10+s3], $0x80, $0x38;
	[tilespmem:$0x1C200] =	vst v63  }
0x28: {  	_ =	swait.ge [sflag:s22], $0x80  }
0x29: {  	[sflag:s22] =	ssyncset.done $0x0  }
0x2a: {  	[sflag:s22] =	ssyncadd.s32 $0xFFFFFF80  }
0x2b: {  	_ =	swait.ge [sflag:s22], $0x80  }
0x2c: {  	[sflag:s22] =	ssyncset.done $0x0  }
0x2d: {  	[sflag:s22] =	ssyncadd.s32 $0xFFFFFF80  }
0x2e: {  	[tilespmem:s23], [sflag:$0x2] =	stream.indirect.gather [hbm4b:s4+s17], $0x80, s20, s17, $0xb8;
	[tilespmem:$0x1C200] =	vst v63  }
0x2f: {  	_ =	swait.ge [sflag:s24], $0x4000  }
0x30: {  	[sflag:s24] =	ssyncset.done $0x0  }
0x31: {  	[sflag:s24] =	ssyncadd.s32 $0xFFFFC000  }
0x32: {  	[spmem:s2] =	stream.indirect.scatter.add.f32 [tilespmem:s19], [sflag:$0x5], $0x80, s17, s17, $0xb8;
	[tilespmem:$0x1C200] =	vst v63  }
0x33: {  	_ =	swait.ge [sflag:s25], $0x4000  }
0x34: {  	[sflag:s25] =	ssyncset.done $0x0  }
0x35: {  	[sflag:s25] =	ssyncadd.s32 $0xFFFFC000  }
0x36: {  	_ =	swait.ge [sflag:s26], $0x4000  }
0x37: {  	[sflag:s26] =	ssyncset.done $0x0  }
0x38: {  	[sflag:s26] =	ssyncadd.s32 $0xFFFFC000  }
0x39: {  	[spmem:s2] =	stream.indirect.scatter.add.f32 [tilespmem:s23], [sflag:$0x6], $0x80, s21, s17, $0xb8;
	[tilespmem:$0x1C200] =	vst v63  }
0x3a: {  	s30 =	sadd.s32 $0x0, s14  }
0x3b: {  	[tilespmem:s3], [sflag:$0x3] =	stream.linear.gather [hbm4b:s30+s3], $0x80, $0x38;
	[tilespmem:$0x1C200] =	vst v63  }
0x3c: {  	s30 =	sadd.s32 $0x10, s30  }
0x3d: {  	[tilespmem:s17], [sflag:$0x3] =	stream.linear.gather [hbm4b:s30+s3], $0x80, $0x38;
	[tilespmem:$0x1C200] =	vst v63  }
0x3e: {  	_ =	swait.ge [sflag:s18], $0x80  }
0x3f: {  	[sflag:s18] =	ssyncset.done $0x0  }
0x40: {  	[sflag:s18] =	ssyncadd.s32 $0xFFFFFF80  }
0x41: {  	_ =	swait.ge [sflag:s18], $0x80  }
0x42: {  	[sflag:s18] =	ssyncset.done $0x0  }
0x43: {  	[sflag:s18] =	ssyncadd.s32 $0xFFFFFF80  }
0x44: {  	[tilespmem:s19], [sflag:$0x1] =	stream.indirect.gather [hbm4b:s4+s17], $0x80, s3, s17, $0xb8;
	[tilespmem:$0x1C200] =	vst v63  }
0x45: {  	_ =	swait.ge [sflag:s28], $0x4000  }
0x46: {  	[sflag:s28] =	ssyncset.done $0x0  }
0x47: {  	s31 =	sadd.s32 $0x0, s13;
	[sflag:s28] =	ssyncadd.s32 $0xFFFFC000  }
0x48: {  	[tilespmem:s20], [sflag:$0x4] =	stream.linear.gather [hbm4b:s31+s3], $0x80, $0x38;
	[tilespmem:$0x1C200] =	vst v63  }
0x49: {  	s30 =	simm.s32 $0x40;
	s31 =	sadd.s32 $0x10, s31  }
.LBB2_2:
0x4a: {  	[tilespmem:s21], [sflag:$0x4] =	stream.linear.gather [hbm4b:s31+s3], $0x80, $0x38;
	[tilespmem:$0x1C200] =	vst v63  }
0x4b: {  	s31 =	smov.u32 s30  }
0x4c: {  	p0 =	sne.s32 s30, $0x980;
	s30 =	sadd.s32 $0x40, s30;
	_ =	swait.ge [sflag:s22], $0x80  }
0x4d: {  	[sflag:s22] =	ssyncset.done $0x0  }
0x4e: {  	[sflag:s22] =	ssyncadd.s32 $0xFFFFFF80  }
0x4f: {  	_ =	swait.ge [sflag:s22], $0x80  }
0x50: {  	[sflag:s22] =	ssyncset.done $0x0  }
0x51: {  	[sflag:s22] =	ssyncadd.s32 $0xFFFFFF80  }
0x52: {  	[tilespmem:s23], [sflag:$0x2] =	stream.indirect.gather [hbm4b:s4+s17], $0x80, s20, s17, $0xb8;
	[tilespmem:$0x1C200] =	vst v63  }
0x53: {  	_ =	swait.ge [sflag:s24], $0x4000  }
0x54: {  	[sflag:s24] =	ssyncset.done $0x0  }
0x55: {  	[sflag:s24] =	ssyncadd.s32 $0xFFFFC000  }
0x56: {  	[spmem:s2] =	stream.indirect.scatter.add.f32 [tilespmem:s19], [sflag:$0x5], $0x80, s17, s17, $0xb8;
	[tilespmem:$0x1C200] =	vst v63  }
0x57: {  	_ =	swait.ge [sflag:s25], $0x4000  }
0x58: {  	[sflag:s25] =	ssyncset.done $0x0  }
0x59: {  	[sflag:s25] =	ssyncadd.s32 $0xFFFFC000  }
0x5a: {  	_ =	swait.ge [sflag:s26], $0x4000  }
0x5b: {  	[sflag:s26] =	ssyncset.done $0x0  }
0x5c: {  	[sflag:s26] =	ssyncadd.s32 $0xFFFFC000  }
0x5d: {  	[spmem:s2] =	stream.indirect.scatter.add.f32 [tilespmem:s23], [sflag:$0x6], $0x80, s21, s17, $0xb8;
	[tilespmem:$0x1C200] =	vst v63  }
0x5e: {  	s0 =	sadd.s32 s31, s14  }
0x5f: {  	[tilespmem:s3], [sflag:$0x3] =	stream.linear.gather [hbm4b:s0+s3], $0x80, $0x38;
	[tilespmem:$0x1C200] =	vst v63  }
0x60: {  	s0 =	sadd.s32 $0x10, s0  }
0x61: {  	[tilespmem:s17], [sflag:$0x3] =	stream.linear.gather [hbm4b:s0+s3], $0x80, $0x38;
	[tilespmem:$0x1C200] =	vst v63  }
0x62: {  	_ =	swait.ge [sflag:s18], $0x80  }
0x63: {  	[sflag:s18] =	ssyncset.done $0x0  }
0x64: {  	[sflag:s18] =	ssyncadd.s32 $0xFFFFFF80  }
0x65: {  	_ =	swait.ge [sflag:s18], $0x80  }
0x66: {  	[sflag:s18] =	ssyncset.done $0x0  }
0x67: {  	[sflag:s18] =	ssyncadd.s32 $0xFFFFFF80  }
0x68: {  	[tilespmem:s19], [sflag:$0x1] =	stream.indirect.gather [hbm4b:s4+s17], $0x80, s3, s17, $0xb8;
	[tilespmem:$0x1C200] =	vst v63  }
.Ltmp0:
0x69: {  	_ =	swait.ge [sflag:s28], $0x4000;
	(pc) =	sbr.rel @p0 .LBB2_2-.Ltmp0, $4  }
0x6a: {  	[sflag:s28] =	ssyncset.done $0x0  }
0x6b: {  	s0 =	sadd.s32 s31, s13;
	[sflag:s28] =	ssyncadd.s32 $0xFFFFC000  }
0x6c: {  	[tilespmem:s20], [sflag:$0x4] =	stream.linear.gather [hbm4b:s0+s3], $0x80, $0x38;
	[tilespmem:$0x1C200] =	vst v63  }
0x6d: {  	s31 =	sadd.s32 $0x10, s0  }
0x6e: {  	[tilespmem:s21], [sflag:$0x4] =	stream.linear.gather [hbm4b:s31+s3], $0x80, $0x38;
	[tilespmem:$0x1C200] =	vst v63  }
0x6f: {  	_ =	swait.ge [sflag:s22], $0x80  }
0x70: {  	[sflag:s22] =	ssyncset.done $0x0  }
0x71: {  	[sflag:s22] =	ssyncadd.s32 $0xFFFFFF80  }
0x72: {  	_ =	swait.ge [sflag:s22], $0x80  }
0x73: {  	[sflag:s22] =	ssyncset.done $0x0  }
0x74: {  	[sflag:s22] =	ssyncadd.s32 $0xFFFFFF80  }
0x75: {  	_ =	swait.ge [sflag:s24], $0x4000  }
0x76: {  	[sflag:s24] =	ssyncset.done $0x0  }
0x77: {  	[sflag:s24] =	ssyncadd.s32 $0xFFFFC000  }
0x78: {  	[spmem:s2] =	stream.indirect.scatter.add.f32 [tilespmem:s19], [sflag:$0x7], $0x80, s17, s17, $0xb8;
	[tilespmem:$0x1C200] =	vst v63  }
0x79: {  	_ =	swait.ge [sflag:s16], $0x4000  }
0x7a: {  	s29 =	sadd.s32 $0x1, s29;
	[sflag:s16] =	ssyncset.done $0x0  }
0x7b: {  	p0 =	sne.s32 s29, s12;
	[sflag:s16] =	ssyncadd.s32 $0xFFFFC000  }
.Ltmp1:
0x7c: {  	[bflag:$0x0] =	sbarrier.arrive $0xFFFF;
	(pc) =	sbr.rel @p0 .LBB2_1-.Ltmp1, $4  }
0x7d: {  	[hbm:s11], [sflag:s7] =	dma.local [spmem:s15], $0x2800  }
0x7e: {  	_ =	swait.ge [sflag:s16], $0x2800  }
0x7f: {  	[sflag:s16] =	ssyncset.done $0x0  }
0x80: {  	[sflag:s16] =	ssyncadd.s32 $0xFFFFD800  }
0x81: {  	_ =	sfence.sel $0x180000  }
0x82: {  	[bflag:$0x0] =	sbarrier.arrive $0xFFFF  }
0x83: {  	_ =	strace $0x9000004D  }
0x84: {  	[bflag:$0x2] =	sbarrier.arrive $0xFFFF  }
0x85: {  	p0 =	sne.s32 s1, $0x0;
	s0 =	rddreg [dreg:$0x3]  }
0x86: {  	s0 =	sadd.s32 @!p0 $0x100000, s0  }
0x87: {  	[sflag:s0] =	ssyncadd.tile.s32 @!p0 $0x1;
	_ =	shalt  }
.Lfunc_end2:
_tile_overlayer_lowered:
.L_overlay_start_2:
0x88: {  	(tag) =	ssettag $0x2  }
0x89: {  	s0 =	rddreg [dreg:$0x0];
	s2 =	stileid.u32  }
0x8a: {  	s1 =	rddreg [dreg:$0x1];
	p0 =	sne.s32 s2, $0x0  }
0x8b: {  	s3 =	rddreg [dreg:$0x2];
	[bflag:$0x3] =	sbarrier.arrive $0xFFFF;
	s2 =	simm.s32 @!p0 $0x1C07  }
0x8c: {  	[timem:s3], [sflag:s2] =	dma.local @!p0 [hbm:s0], s1  }
0x8d: {  	s0 =	simm.s32 @!p0 $0x7  }
0x8e: {  	_ =	swait.ge @!p0 [sflag:s0], s1  }
0x8f: {  	s1 =	ssub.s32 @!p0 $0x0, s1;
	[sflag:s0] =	ssyncset.done @!p0 $0x0  }
0x90: {  	[sflag:s0] =	ssyncadd.s32 @!p0 s1  }
0x91: {  	[bflag:$0x3] =	sbarrier.arrive $0xFFFF  }
0x92: {  	_ =	shalt  }

// kernel: kernel.8.cloned.1.call-start
scs
__scs_entry_jumppad:
0x0: {  	(pc) =	sbr.rel $0x88, $3  }
0x1: {  	(tag) =	ssettag $0x0;
	lr =	simm.s32 $0x1  }
0x2: {  	[smem:$0x3F9B] =	sst lr;
	_ =	strace $0xD0000000  }
0x3: {  	_ = 	snop  }
0x4: {  	_ = 	snop  }
0x5: {  	_ = 	snop  }
0x6: {  	_ = 	snop  }
0x7: {  	_ = 	snop  }
__scs_overlays_trampoline_lowered:
0x8: {  	[smem:$0x3FAA] =	sst s0  }
0x9: {  	[smem:$0x3FAB] =	sst s1  }
0xa: {  	[smem:$0x3FAC] =	sst s2  }
0xb: {  	[smem:$0x3FAD] =	sst s3  }
0xc: {  	[smem:$0x3FAE] =	sst s4  }
0xd: {  	[smem:$0x3FAF] =	sst s5  }
0xe: {  	[smem:$0x3FB0] =	sst s6  }
0xf: {  	[smem:$0x3FB1] =	sst s7  }
0x10: {  	[smem:$0x3FB2] =	sst s8  }
0x11: {  	[smem:$0x3FB3] =	sst s9;
	s0 =	simm.s32 @!p0 $0x0  }
0x12: {  	s1 =	sld [smem:$0x3F99];
	s0 =	simm.s32 @p0 $0x1  }
0x13: {  	[smem:$0x3FB4] =	sst s0;
	s0 =	simm.s32 @!p1 $0x0  }
0x14: {  	s2 =	sld [smem:$0x3F98];
	s0 =	simm.s32 @p1 $0x1  }
0x15: {  	[smem:$0x3FB5] =	sst s0;
	s0 =	simm.s32 @!p2 $0x0  }
0x16: {  	s3 =	sld [smem:$0x3FDB];
	s0 =	simm.s32 @p2 $0x1  }
0x17: {  	s4 =	simm.s32 $0x1BF5;
	[smem:$0x3FB7] =	sst s0  }
0x18: {  	s0 =	sld [smem:$0x3F9A];
	_ =	swait.ge [sflag:s4], $0x0  }
0x19: {  	s7 =	sld [smem:$0x3F9B]  }
0x1a: {  	s8 =	sadd.s32 $0xFFFFE003, lr  }
0x1b: {  	s9 =	sadd.s32 $0xFFFFFEF7, lr;
	s5 =	simm.s32 $0xFFFFFFFF;
	p2 =	slt.u32 s8, $0xFFFFF086  }
0x1c: {  	p1 =	slt.u32 s9, $0xF7A;
	s5 =	simm.s32 @!p2 $0x0  }
0x1d: {  	s5 =	simm.s32 @p1 $0x1;
	p0 =	seq.s32 s7, s2  }
0x1e: {  	s7 =	smul.u32 @!p0 $0xF7A, s2;
	p2 =	seq.s32 @!p0 s5, $0x0  }
0x1f: {  	s9 =	smul.u32 $0xF7A, s1;
	s8 =	simm.s32 @!p0 $0x1BF5;
	p2 =	por !p2, p0  }
0x20: {  	[sflag:s8] =	ssyncset.s32 @!p0 $0xFFFFF086;
	s6 =	sadd.s32 @!p0 s3, s7;
	s7 =	simm.s32 @!p0 $0x108  }
0x21: {  	s3 =	sadd.s32 s3, s9;
	s6 =	sadd.s32 @!p0 $0x88, s6;
	s7 =	simm.s32 @p2 $0x1082  }
0x22: {  	[simem:s7], [sflag:s8] =	dma.local @!p0 [hbm:s6], $0xF7A  }
0x23: {  	s9 =	sor.u32 $0xD0000000, s2;
	s6 =	simm.s32 $0x108;
	_ =	swait.ge @!p0 [sflag:s8], $0x0  }
0x24: {  	s3 =	sadd.s32 $0x88, s3;
	s6 =	simm.s32 @!p1 $0x1082;
	[sflag:s4] =	ssyncset.s32 $0xFFFFF086  }
0x25: {  	[simem:s6], [sflag:s4] =	dma.local [hbm:s3], $0xF7A  }
0x26: {  	[smem:$0x3F9B] =	sst s1;
	(tag) =	ssettag s2;
	_ =	strace s9  }
0x27: {  	s1 =	sld [smem:$0x3FAB]  }
0x28: {  	s2 =	sld [smem:$0x3FAC]  }
0x29: {  	s4 =	sld [smem:$0x3FAE]  }
0x2a: {  	p0 =	seq.s32 s5, $0x0;
	s5 =	sld [smem:$0x3FAF]  }
0x2b: {  	s6 =	sld [smem:$0x3FB0]  }
0x2c: {  	s7 =	sld [smem:$0x3FB1]  }
0x2d: {  	s3 =	simm.s32 $0x108;
	s8 =	sld [smem:$0x3FB2]  }
0x2e: {  	s3 =	simm.s32 @!p0 $0x1082;
	s9 =	sld [smem:$0x3FB3]  }
0x2f: {  	lr =	sadd.s32 s0, s3;
	s0 =	sld [smem:$0x3FAA]  }
0x30: {  	s3 =	sld [smem:$0x3FAD]  }
0x31: {  	[smem:$0x3FB6] =	sst s10  }
0x32: {  	s10 =	sld [smem:$0x3FB4];
	_ =	sdelay $0x3  }
0x33: {  	p0 =	seq.s32 s10, $0x1;
	s10 =	sld [smem:$0x3FB6];
	_ =	sdelay $0x3  }
0x34: {  	[smem:$0x3FB6] =	sst s10  }
0x35: {  	s10 =	sld [smem:$0x3FB5];
	_ =	sdelay $0x3  }
0x36: {  	p1 =	seq.s32 s10, $0x1;
	s10 =	sld [smem:$0x3FB6];
	_ =	sdelay $0x3  }
0x37: {  	[smem:$0x3FB6] =	sst s10  }
0x38: {  	s10 =	sld [smem:$0x3FB7]  }
0x39: {  	_ = 	snop;
	(pc) =	sbr.ind lr, $3  }
0x3a: {  	_ = 	snop  }
0x3b: {  	_ = 	snop  }
0x3c: {  	p2 =	seq.s32 s10, $0x1;
	s10 =	sld [smem:$0x3FB6]  }
0x3d: {  	_ =	shalt  }
0x3e: {  	_ =	shalt  }
0x3f: {  	_ =	shalt  }
0x40: {  	_ =	shalt  }
0x41: {  	_ =	shalt  }
0x42: {  	_ =	shalt  }
0x43: {  	_ =	shalt  }
0x44: {  	_ =	shalt  }
0x45: {  	_ =	shalt  }
0x46: {  	_ =	shalt  }
0x47: {  	_ =	shalt  }
0x48: {  	_ =	shalt  }
0x49: {  	_ =	shalt  }
0x4a: {  	_ =	shalt  }
0x4b: {  	_ =	shalt  }
0x4c: {  	_ =	shalt  }
0x4d: {  	_ =	shalt  }
0x4e: {  	_ =	shalt  }
0x4f: {  	_ =	shalt  }
0x50: {  	_ =	shalt  }
0x51: {  	_ =	shalt  }
0x52: {  	_ =	shalt  }
0x53: {  	_ =	shalt  }
0x54: {  	_ =	shalt  }
0x55: {  	_ =	shalt  }
0x56: {  	_ =	shalt  }
0x57: {  	_ =	shalt  }
0x58: {  	_ =	shalt  }
0x59: {  	_ =	shalt  }
0x5a: {  	_ =	shalt  }
0x5b: {  	_ =	shalt  }
0x5c: {  	_ =	shalt  }
0x5d: {  	_ =	shalt  }
0x5e: {  	_ =	shalt  }
0x5f: {  	_ =	shalt  }
0x60: {  	_ =	shalt  }
0x61: {  	_ =	shalt  }
0x62: {  	_ =	shalt  }
0x63: {  	_ =	shalt  }
0x64: {  	_ =	shalt  }
0x65: {  	_ =	shalt  }
0x66: {  	_ =	shalt  }
0x67: {  	_ =	shalt  }
0x68: {  	_ =	shalt  }
0x69: {  	_ =	shalt  }
0x6a: {  	_ =	shalt  }
0x6b: {  	_ =	shalt  }
0x6c: {  	_ =	shalt  }
0x6d: {  	_ =	shalt  }
0x6e: {  	_ =	shalt  }
0x6f: {  	_ =	shalt  }
0x70: {  	_ =	shalt  }
0x71: {  	_ =	shalt  }
0x72: {  	_ =	shalt  }
0x73: {  	_ =	shalt  }
0x74: {  	_ =	shalt  }
0x75: {  	_ =	shalt  }
0x76: {  	_ =	shalt  }
0x77: {  	_ =	shalt  }
0x78: {  	_ =	shalt  }
0x79: {  	_ =	shalt  }
0x7a: {  	_ =	shalt  }
0x7b: {  	_ =	shalt  }
0x7c: {  	_ =	shalt  }
0x7d: {  	_ =	shalt  }
0x7e: {  	_ =	shalt  }
0x7f: {  	_ =	shalt  }
0x80: {  	_ =	shalt  }
0x81: {  	_ =	shalt  }
0x82: {  	_ =	shalt  }
0x83: {  	_ =	shalt  }
0x84: {  	_ =	shalt  }
0x85: {  	_ =	shalt  }
0x86: {  	_ =	shalt  }
0x87: {  	_ =	shalt  }
.Lfunc_end0:
.L_simem_size_0:
called_computation_lowered:
.L_overlay_start_0:
0x88: {  	s2 =	sld [smem:$0x3FD9]  }
0x89: {  	s3 =	sld [smem:$0x3FFE];
	_ =	sdelay $0x1  }
0x8a: {  	s1 =	srdreg.scid  }
0x8b: {  	s0 =	sand.u32 $0x1, s1  }
0x8c: {  	s17 =	sshll.u32 s0, $0xA;
	s2 =	sadd.s32 s3, s2  }
0x8d: {  	s2 =	sadd.s32 s2, s17  }
0x8e: {  	[smem:$0x3FC2] =	sst s2  }
0x8f: {  	_ = 	snop  }
0x90: {  	s2 =	sld [smem:$0x3FD0];
	(tm) =	ssettm $0x1  }
0x91: {  	s18 =	sld [smem:$0x3FFB];
	_ =	sdelay $0x3  }
0x92: {  	_ =	strace s18  }
0x93: {  	s3 =	sld [smem:$0x3FFC];
	_ =	sdelay $0x3  }
0x94: {  	_ =	strace s3  }
0x95: {  	s3 =	sld [smem:$0x3FFD];
	_ =	sdelay $0x3  }
0x96: {  	_ =	strace s3  }
0x97: {  	_ =	strace $0x8FFFFFFF  }
0x98: {  	s19 =	sld [smem:$0x3FDB];
	_ =	sdelay $0x1  }
0x99: {  	s4 =	simm.s32 $_scs_section_size  }
0x9a: {  	s5 =	simm.s32 $_size__tile_overlayer_lowered;
	s6 =	simm.s32 $_tile_overlayer_lowered  }
0x9b: {  	s22 =	simm.s32 $0x1BFF;
	s21 =	sshll.u32 s6, $0x1;
	s3 =	sadd.s32 s4, s19  }
0x9c: {  	s7 =	simm.s32 $0x0;
	s20 =	sshll.u32 s5, $0x1;
	s5 =	sadd.s32 s21, s3  }
0x9d: {  	[timem:s7], [sflag:s22] =	dma.local [hbm:s5], s20  }
0x9e: {  	_ =	swait.ge [sflag:s22], s20  }
0x9f: {  	s4 =	ssub.s32 $0x0, s20;
	[sflag:s22] =	ssyncset.done $0x0  }
0xa0: {  	[sflag:s22] =	ssyncadd.s32 s4;
	_ =	sdelay $0x1  }
0xa1: {  	s23 =	simm.s32 $0x1B8B  }
0xa2: {  	_ =	swait.ge [sflag:s23], $0x1  }
0xa3: {  	[sflag:s23] =	ssyncset.done $0x0  }
0xa4: {  	s25 =	simm.s32 $0x1B8E;
	s24 =	sld [smem:$0x3FFE];
	[sflag:s23] =	ssyncadd.s32 $0xFFFFFFFF  }
0xa5: {  	s26 =	simm.s32 $execute0_lowered;
	[smem:$0x3FD2] =	sst s25  }
0xa6: {  	s5 =	sshll.u32 s26, $0x1;
	_ =	strace $0x80000046;
	[dreg:$0x1] =	wrdreg $0xFFFFFFFF  }
0xa7: {  	s28 =	simm.s32 $_size_execute0_lowered;
	s3 =	sadd.s32 s3, s5;
	[dreg:$0x0] =	wrdreg $0x0  }
0xa8: {  	s5 =	sshll.u32 s28, $0x1;
	[dreg:$0x2] =	wrdreg s3  }
0xa9: {  	[dreg:$0x3] =	wrdreg s5  }
0xaa: {  	[dreg:$0x4] =	wrdreg $0xC0  }
0xab: {  	_ =	task [dreg:s7], $0x5FFFF  }
0xac: {  	[dreg:$0x1] =	wrdreg $0xFFFFFFFF  }
0xad: {  	[dreg:$0x0] =	wrdreg $0x60  }
0xae: {  	[dreg:$0x2] =	wrdreg s2  }
0xaf: {  	[dreg:$0x3] =	wrdreg s24  }
0xb0: {  	[dreg:$0x4] =	wrdreg $0x82000  }
0xb1: {  	[dreg:$0x5] =	wrdreg $0x9  }
0xb2: {  	_ =	task.clear_ibuf [dreg:s7], $0x6FFFF;
	_ =	strace $0x90000046  }
0xb3: {  	s29 =	simm.s32 $0x9;
	_ =	strace $0x80000048  }
0xb4: {  	_ =	swait.ge [sflag:s29], $0x1  }
0xb5: {  	[sflag:s29] =	ssyncadd.s32 $0xFFFFFFFF  }
0xb6: {  	_ =	strace $0x90000048  }
0xb7: {  	_ =	sfence  }
0xb8: {  	s30 =	sld [smem:$0x0];
	_ =	sdelay $0x2  }
0xb9: {  	s31 =	sshll.u32 s1, $0xD;
	s1 =	sshrl.u32 s1, $0x2  }
0xba: {  	s3 =	sand.u32 $0x4000, s31;
	s1 =	sadd.s32 s1, s30  }
0xbb: {  	s0 =	sor.u32 s3, s0;
	s1 =	sshll.u32 s1, $0x11  }
0xbc: {  	s0 =	sor.u32 s1, s0  }
0xbd: {  	s0 =	sadd.s32 $0x8F2B, s0  }
0xbe: {  	[sflag:s0] =	ssyncadd.remote.s32 $0x1  }
0xbf: {  	_ =	sfence.sel $0xFFFF  }
0xc0: {  	[dreg:$0x0] =	wrdreg $0xFFFFFFFF;
	(pc) =	sbr.abs _section_cstart, $3  }
0xc1: {  	[dreg:$0x1] =	wrdreg $0xFFFFFFFF  }
0xc2: {  	_ =	task.clear_ibuf [dreg:s7], $0x2FFFF;
	_ =	strace $0x9FFFFFFF  }
0xc3: {  	(tm) =	ssettm $0x7FFFFFFF  }
tec
execute0_lowered:
.L_overlay_start_1:
0x0: {  	(tag) =	ssettag $0x1  }
0x1: {  	s14 =	rddreg [dreg:$0x0]  }
0x2: {  	s5 =	rddreg [dreg:$0x1]  }
0x3: {  	s2 =	rddreg [dreg:$0x2];
	s3 =	simm.s32 $0x0;
	s1 =	stileid.u32  }
0x4: {  	s4 =	srdreg.scid;
	s19 =	simm.s32 $0x200;
	s20 =	simm.s32 $0x100  }
0x5: {  	s21 =	simm.s32 $0x180;
	s22 =	simm.s32 $0x4;
	s6 =	smul.u32 $0x14000, s1  }
0x6: {  	s28 =	simm.s32 $0x6;
	s29 =	simm.s32 $0x0;
	s23 =	smul.u32 $0x5000, s1  }
0x7: {  	[smem:$0x7FF] =	sst s3;
	s7 =	sand.u32 $0x1, s4;
	s11 =	smul.u32 $0x50000, s1  }
0x8: {  	s4 =	sadd.s32 $0x2A600, s5;
	s30 =	sshll.u32 s1, $0x6;
	s8 =	smul.u32 $0x140000, s7  }
0x9: {  	_ =	strace $0x80000047;
	s10 =	smul.u32 $0x50000, s7;
	s7 =	ssub.s32 $0x2, s7  }
0xa: {  	s9 =	sshrl.u32 s6, $0x3;
	s24 =	sshrl.u32 s7, $0x1;
	s25 =	sshrl.u32 s11, $0x2  }
0xb: {  	s9 =	sadd.s32 s9, s5;
	s6 =	sadd.s32 s6, s8;
	s13 =	sadd.s32 s23, s10  }
0xc: {  	s15 =	ssub.s32 s7, s24;
	s16 =	sadd.s32 s25, s2;
	s7 =	sor.u32 $0x1C07, s30  }
0xd: {  	s23 =	simm.s32 $0x4200;
	s24 =	simm.s32 $0x1;
	s25 =	simm.s32 $0x2  }
0xe: {  	s6 =	sshrl.u32 s6, $0x3;
	s26 =	sshrl.u32 s13, $0x3;
	s17 =	sor.u32 $0x300, s13  }
0xf: {  	s18 =	sor.u32 $0x200, s13;
	s12 =	sadd.s32 s6, s5;
	s5 =	sadd.s32 s14, s26  }
0x10: {  	s6 =	sadd.s32 $0x2600, s9;
	s17 =	sshrl.u32 s17, $0x3;
	s31 =	sshrl.u32 s18, $0x3  }
0x11: {  	s18 =	simm.s32 $0x3;
	s26 =	simm.s32 $0x5;
	s8 =	sadd.s32 $0x10, s5  }
0x12: {  	s9 =	sadd.s32 $0x20, s5;
	s10 =	sadd.s32 $0x30, s5;
	s11 =	sadd.s32 $0x52600, s12  }
0x13: {  	s12 =	smax.u32 s15, $0x1;
	s13 =	sadd.s32 s17, s14;
	s14 =	sadd.s32 s31, s14  }
0x14: {  	s15 =	sshrl.u32 s16, $0x3;
	s16 =	simm.s32 $0x7;
	s17 =	simm.s32 $0x80  }
.LBB2_1:
0x15: {  	[spmem:s15], [sflag:s7] =	dma.local [hbm:s6], $0x2800  }
0x16: {  	_ =	swait.ge [sflag:s16], $0x2800  }
0x17: {  	[sflag:s16] =	ssyncset.done $0x0  }
0x18: {  	[sflag:s16] =	ssyncadd.s32 $0xFFFFD800  }
0x19: {  	[bflag:$0x0] =	sbarrier.arrive $0xFFFF  }
0x1a: {  	[tilespmem:s3], [sflag:$0x3] =	stream.linear.gather [hbm4b:s5+s3], $0x80, $0x38;
	[tilespmem:$0x1C200] =	vst v63  }
0x1b: {  	_ = 	snop  }
0x1c: {  	[tilespmem:s17], [sflag:$0x3] =	stream.linear.gather [hbm4b:s8+s3], $0x80, $0x38;
	[tilespmem:$0x1C200] =	vst v63  }
0x1d: {  	_ =	swait.ge [sflag:s18], $0x80  }
0x1e: {  	[sflag:s18] =	ssyncset.done $0x0  }
0x1f: {  	[sflag:s18] =	ssyncadd.s32 $0xFFFFFF80  }
0x20: {  	_ =	swait.ge [sflag:s18], $0x80  }
0x21: {  	[sflag:s18] =	ssyncset.done $0x0  }
0x22: {  	[sflag:s18] =	ssyncadd.s32 $0xFFFFFF80  }
0x23: {  	[tilespmem:s19], [sflag:$0x1] =	stream.indirect.gather [hbm4b:s4+s17], $0x80, s3, s17, $0xb8;
	[tilespmem:$0x1C200] =	vst v63  }
0x24: {  	_ = 	snop  }
0x25: {  	[tilespmem:s20], [sflag:$0x4] =	stream.linear.gather [hbm4b:s9+s3], $0x80, $0x38;
	[tilespmem:$0x1C200] =	vst v63  }
0x26: {  	_ = 	snop  }
0x27: {  	[tilespmem:s21], [sflag:$0x4] =	stream.linear.gather [hbm4b:s10+s3], $0x80, $0x38;
	[tilespmem:$0x1C200] =	vst v63  }
0x28: {  	_ =	swait.ge [sflag:s22], $0x80  }
0x29: {  	[sflag:s22] =	ssyncset.done $0x0  }
0x2a: {  	[sflag:s22] =	ssyncadd.s32 $0xFFFFFF80  }
0x2b: {  	_ =	swait.ge [sflag:s22], $0x80  }
0x2c: {  	[sflag:s22] =	ssyncset.done $0x0  }
0x2d: {  	[sflag:s22] =	ssyncadd.s32 $0xFFFFFF80  }
0x2e: {  	[tilespmem:s23], [sflag:$0x2] =	stream.indirect.gather [hbm4b:s4+s17], $0x80, s20, s17, $0xb8;
	[tilespmem:$0x1C200] =	vst v63  }
0x2f: {  	_ =	swait.ge [sflag:s24], $0x4000  }
0x30: {  	[sflag:s24] =	ssyncset.done $0x0  }
0x31: {  	[sflag:s24] =	ssyncadd.s32 $0xFFFFC000  }
0x32: {  	[spmem:s2] =	stream.indirect.scatter.add.f32 [tilespmem:s19], [sflag:$0x5], $0x80, s17, s17, $0xb8;
	[tilespmem:$0x1C200] =	vst v63  }
0x33: {  	_ =	swait.ge [sflag:s25], $0x4000  }
0x34: {  	[sflag:s25] =	ssyncset.done $0x0  }
0x35: {  	[sflag:s25] =	ssyncadd.s32 $0xFFFFC000  }
0x36: {  	_ =	swait.ge [sflag:s26], $0x4000  }
0x37: {  	[sflag:s26] =	ssyncset.done $0x0  }
0x38: {  	[sflag:s26] =	ssyncadd.s32 $0xFFFFC000  }
0x39: {  	[spmem:s2] =	stream.indirect.scatter.add.f32 [tilespmem:s23], [sflag:$0x6], $0x80, s21, s17, $0xb8;
	[tilespmem:$0x1C200] =	vst v63  }
0x3a: {  	s30 =	sadd.s32 $0x0, s14  }
0x3b: {  	[tilespmem:s3], [sflag:$0x3] =	stream.linear.gather [hbm4b:s30+s3], $0x80, $0x38;
	[tilespmem:$0x1C200] =	vst v63  }
0x3c: {  	s30 =	sadd.s32 $0x10, s30  }
0x3d: {  	[tilespmem:s17], [sflag:$0x3] =	stream.linear.gather [hbm4b:s30+s3], $0x80, $0x38;
	[tilespmem:$0x1C200] =	vst v63  }
0x3e: {  	_ =	swait.ge [sflag:s18], $0x80  }
0x3f: {  	[sflag:s18] =	ssyncset.done $0x0  }
0x40: {  	[sflag:s18] =	ssyncadd.s32 $0xFFFFFF80  }
0x41: {  	_ =	swait.ge [sflag:s18], $0x80  }
0x42: {  	[sflag:s18] =	ssyncset.done $0x0  }
0x43: {  	[sflag:s18] =	ssyncadd.s32 $0xFFFFFF80  }
0x44: {  	[tilespmem:s19], [sflag:$0x1] =	stream.indirect.gather [hbm4b:s4+s17], $0x80, s3, s17, $0xb8;
	[tilespmem:$0x1C200] =	vst v63  }
0x45: {  	_ =	swait.ge [sflag:s28], $0x4000  }
0x46: {  	[sflag:s28] =	ssyncset.done $0x0  }
0x47: {  	s31 =	sadd.s32 $0x0, s13;
	[sflag:s28] =	ssyncadd.s32 $0xFFFFC000  }
0x48: {  	[tilespmem:s20], [sflag:$0x4] =	stream.linear.gather [hbm4b:s31+s3], $0x80, $0x38;
	[tilespmem:$0x1C200] =	vst v63  }
0x49: {  	s30 =	simm.s32 $0x40;
	s31 =	sadd.s32 $0x10, s31  }
.LBB2_2:
0x4a: {  	[tilespmem:s21], [sflag:$0x4] =	stream.linear.gather [hbm4b:s31+s3], $0x80, $0x38;
	[tilespmem:$0x1C200] =	vst v63  }
0x4b: {  	s31 =	smov.u32 s30  }
0x4c: {  	p0 =	sne.s32 s30, $0x980;
	s30 =	sadd.s32 $0x40, s30;
	_ =	swait.ge [sflag:s22], $0x80  }
0x4d: {  	[sflag:s22] =	ssyncset.done $0x0  }
0x4e: {  	[sflag:s22] =	ssyncadd.s32 $0xFFFFFF80  }
0x4f: {  	_ =	swait.ge [sflag:s22], $0x80  }
0x50: {  	[sflag:s22] =	ssyncset.done $0x0  }
0x51: {  	[sflag:s22] =	ssyncadd.s32 $0xFFFFFF80  }
0x52: {  	[tilespmem:s23], [sflag:$0x2] =	stream.indirect.gather [hbm4b:s4+s17], $0x80, s20, s17, $0xb8;
	[tilespmem:$0x1C200] =	vst v63  }
0x53: {  	_ =	swait.ge [sflag:s24], $0x4000  }
0x54: {  	[sflag:s24] =	ssyncset.done $0x0  }
0x55: {  	[sflag:s24] =	ssyncadd.s32 $0xFFFFC000  }
0x56: {  	[spmem:s2] =	stream.indirect.scatter.add.f32 [tilespmem:s19], [sflag:$0x5], $0x80, s17, s17, $0xb8;
	[tilespmem:$0x1C200] =	vst v63  }
0x57: {  	_ =	swait.ge [sflag:s25], $0x4000  }
0x58: {  	[sflag:s25] =	ssyncset.done $0x0  }
0x59: {  	[sflag:s25] =	ssyncadd.s32 $0xFFFFC000  }
0x5a: {  	_ =	swait.ge [sflag:s26], $0x4000  }
0x5b: {  	[sflag:s26] =	ssyncset.done $0x0  }
0x5c: {  	[sflag:s26] =	ssyncadd.s32 $0xFFFFC000  }
0x5d: {  	[spmem:s2] =	stream.indirect.scatter.add.f32 [tilespmem:s23], [sflag:$0x6], $0x80, s21, s17, $0xb8;
	[tilespmem:$0x1C200] =	vst v63  }
0x5e: {  	s0 =	sadd.s32 s31, s14  }
0x5f: {  	[tilespmem:s3], [sflag:$0x3] =	stream.linear.gather [hbm4b:s0+s3], $0x80, $0x38;
	[tilespmem:$0x1C200] =	vst v63  }
0x60: {  	s0 =	sadd.s32 $0x10, s0  }
0x61: {  	[tilespmem:s17], [sflag:$0x3] =	stream.linear.gather [hbm4b:s0+s3], $0x80, $0x38;
	[tilespmem:$0x1C200] =	vst v63  }
0x62: {  	_ =	swait.ge [sflag:s18], $0x80  }
0x63: {  	[sflag:s18] =	ssyncset.done $0x0  }
0x64: {  	[sflag:s18] =	ssyncadd.s32 $0xFFFFFF80  }
0x65: {  	_ =	swait.ge [sflag:s18], $0x80  }
0x66: {  	[sflag:s18] =	ssyncset.done $0x0  }
0x67: {  	[sflag:s18] =	ssyncadd.s32 $0xFFFFFF80  }
0x68: {  	[tilespmem:s19], [sflag:$0x1] =	stream.indirect.gather [hbm4b:s4+s17], $0x80, s3, s17, $0xb8;
	[tilespmem:$0x1C200] =	vst v63  }
.Ltmp0:
0x69: {  	_ =	swait.ge [sflag:s28], $0x4000;
	(pc) =	sbr.rel @p0 .LBB2_2-.Ltmp0, $4  }
0x6a: {  	[sflag:s28] =	ssyncset.done $0x0  }
0x6b: {  	s0 =	sadd.s32 s31, s13;
	[sflag:s28] =	ssyncadd.s32 $0xFFFFC000  }
0x6c: {  	[tilespmem:s20], [sflag:$0x4] =	stream.linear.gather [hbm4b:s0+s3], $0x80, $0x38;
	[tilespmem:$0x1C200] =	vst v63  }
0x6d: {  	s31 =	sadd.s32 $0x10, s0  }
0x6e: {  	[tilespmem:s21], [sflag:$0x4] =	stream.linear.gather [hbm4b:s31+s3], $0x80, $0x38;
	[tilespmem:$0x1C200] =	vst v63  }
0x6f: {  	_ =	swait.ge [sflag:s22], $0x80  }
0x70: {  	[sflag:s22] =	ssyncset.done $0x0  }
0x71: {  	[sflag:s22] =	ssyncadd.s32 $0xFFFFFF80  }
0x72: {  	_ =	swait.ge [sflag:s22], $0x80  }
0x73: {  	[sflag:s22] =	ssyncset.done $0x0  }
0x74: {  	[sflag:s22] =	ssyncadd.s32 $0xFFFFFF80  }
0x75: {  	_ =	swait.ge [sflag:s24], $0x4000  }
0x76: {  	[sflag:s24] =	ssyncset.done $0x0  }
0x77: {  	[sflag:s24] =	ssyncadd.s32 $0xFFFFC000  }
0x78: {  	[spmem:s2] =	stream.indirect.scatter.add.f32 [tilespmem:s19], [sflag:$0x7], $0x80, s17, s17, $0xb8;
	[tilespmem:$0x1C200] =	vst v63  }
0x79: {  	_ =	swait.ge [sflag:s16], $0x4000  }
0x7a: {  	s29 =	sadd.s32 $0x1, s29;
	[sflag:s16] =	ssyncset.done $0x0  }
0x7b: {  	p0 =	sne.s32 s29, s12;
	[sflag:s16] =	ssyncadd.s32 $0xFFFFC000  }
.Ltmp1:
0x7c: {  	[bflag:$0x0] =	sbarrier.arrive $0xFFFF;
	(pc) =	sbr.rel @p0 .LBB2_1-.Ltmp1, $4  }
0x7d: {  	[hbm:s11], [sflag:s7] =	dma.local [spmem:s15], $0x2800  }
0x7e: {  	_ =	swait.ge [sflag:s16], $0x2800  }
0x7f: {  	[sflag:s16] =	ssyncset.done $0x0  }
0x80: {  	[sflag:s16] =	ssyncadd.s32 $0xFFFFD800  }
0x81: {  	_ =	sfence.sel $0x180000  }
0x82: {  	[bflag:$0x0] =	sbarrier.arrive $0xFFFF  }
0x83: {  	_ =	strace $0x90000047  }
0x84: {  	[bflag:$0x2] =	sbarrier.arrive $0xFFFF  }
0x85: {  	p0 =	sne.s32 s1, $0x0;
	s0 =	rddreg [dreg:$0x3]  }
0x86: {  	s0 =	sadd.s32 @!p0 $0x100000, s0  }
0x87: {  	[sflag:s0] =	ssyncadd.tile.s32 @!p0 $0x1;
	_ =	shalt  }
.Lfunc_end2:
_tile_overlayer_lowered:
.L_overlay_start_2:
0x88: {  	(tag) =	ssettag $0x2  }
0x89: {  	s0 =	rddreg [dreg:$0x0];
	s2 =	stileid.u32  }
0x8a: {  	s1 =	rddreg [dreg:$0x1];
	p0 =	sne.s32 s2, $0x0  }
0x8b: {  	s3 =	rddreg [dreg:$0x2];
	[bflag:$0x3] =	sbarrier.arrive $0xFFFF;
	s2 =	simm.s32 @!p0 $0x1C07  }
0x8c: {  	[timem:s3], [sflag:s2] =	dma.local @!p0 [hbm:s0], s1  }
0x8d: {  	s0 =	simm.s32 @!p0 $0x7  }
0x8e: {  	_ =	swait.ge @!p0 [sflag:s0], s1  }
0x8f: {  	s1 =	ssub.s32 @!p0 $0x0, s1;
	[sflag:s0] =	ssyncset.done @!p0 $0x0  }
0x90: {  	[sflag:s0] =	ssyncadd.s32 @!p0 s1  }
0x91: {  	[bflag:$0x3] =	sbarrier.arrive $0xFFFF  }
0x92: {  	_ =	shalt  }

</sc_bundles>
